<compile_context>
chip_gen: v7x
topology: tpu7x:2x2x1
jax: 0.10.2.dev20260603
libtpu: 0.0.44.dev20260713+nightly
codegen_flags: <defaults>
</compile_context>

<pallas_src>
import functools

import jax
import jax.numpy as jnp
from jax import lax
from jax.experimental import pallas as pl
from jax.experimental.pallas import tpu as pltpu
from jax.experimental.pallas import tpu_sc as plsc

D = 128
L = 16
KS = D // L
CH = 128
NR = 1000
NUM_CORES = 2
NUM_SUBCORES = 16


def _score_kernel(batch, per_w, num_cores):
    n_chunks = per_w // CH
    mesh = plsc.VectorSubcoreMesh(
        core_axis_name="c", subcore_axis_name="s",
        num_cores=NUM_CORES, num_subcores=NUM_SUBCORES)

    @functools.partial(
        pl.kernel,
        mesh=mesh,
        compiler_params=pltpu.CompilerParams(needs_layout_passes=False),
        out_type=jax.ShapeDtypeStruct((batch,), jnp.float32),
        scratch_types=[
            pltpu.VMEM((per_w,), jnp.int32),
            pltpu.VMEM((per_w,), jnp.int32),
            pltpu.VMEM((per_w,), jnp.int32),
            pltpu.VMEM((CH, D), jnp.float32),
            pltpu.VMEM((CH, D), jnp.float32),
            pltpu.VMEM((CH, D), jnp.float32),
            pltpu.VMEM((CH, D), jnp.float32),
            pltpu.VMEM((CH, D), jnp.float32),
            pltpu.VMEM((CH, D), jnp.float32),
            pltpu.VMEM((D + 8,), jnp.float32),
            pltpu.VMEM((per_w,), jnp.float32),
            pltpu.VMEM_SHARED((NR, D), jnp.float32),
            pltpu.SemaphoreType.DMA,
            pltpu.SemaphoreType.DMA,
            pltpu.SemaphoreType.DMA,
            pltpu.SemaphoreType.DMA,
            pltpu.SemaphoreType.DMA,
            pltpu.SemaphoreType.DMA,
            pltpu.SemaphoreType.DMA,
            pltpu.SemaphoreType.DMA,
        ],
    )
    def k(heads_hbm, rels_hbm, tails_hbm, ent_hbm, rel_hbm, w_hbm, b_hbm,
          out_hbm, hidx, tidx, ridx, hrows0, hrows1, trows0, trows1,
          rrows0, rrows1, p_v, out_v, rw_shared,
          sh0, sh1, st0, st1, sr0, sr1, s_w, s_b):
        sid = lax.axis_index("s")
        wid = sid * num_cores + lax.axis_index("c")
        base = wid * per_w
        ci_h = pltpu.async_copy(heads_hbm.at[pl.ds(base, per_w)], hidx, sh1)
        ci_t = pltpu.async_copy(tails_hbm.at[pl.ds(base, per_w)], tidx, st1)
        ci_r = pltpu.async_copy(rels_hbm.at[pl.ds(base, per_w)], ridx, sr1)
        cw = pltpu.async_copy(w_hbm, p_v.at[pl.ds(0, D)], s_w)
        cb_ = pltpu.async_copy(b_hbm, p_v.at[pl.ds(D, 1)], s_b)

        hbufs = (hrows0, hrows1)
        tbufs = (trows0, trows1)
        rbufs = (rrows0, rrows1)
        sems = ((sh0, st0, sr0), (sh1, st1, sr1))

        def issue_ht(c, s):
            cb = c * CH
            ch = pltpu.async_copy(
                ent_hbm.at[hidx.at[pl.ds(cb, CH)]], hbufs[s], sems[s][0])
            ct = pltpu.async_copy(
                ent_hbm.at[tidx.at[pl.ds(cb, CH)]], tbufs[s], sems[s][1])
            return ch, ct

        def issue_r(c, s):
            cb = c * CH
            return pltpu.async_copy(
                rw_shared.at[ridx.at[pl.ds(cb, CH)]], rbufs[s], sems[s][2])

        def issue(c, s):
            ch, ct = issue_ht(c, s)
            return ch, ct, issue_r(c, s)

        ci_h.wait()
        ci_t.wait()
        c0h, c0t = issue_ht(0, 0)

        cw.wait()
        cb_.wait()
        wk = [p_v[pl.ds(kk * L, L)] for kk in range(KS)]
        bvec = plsc.load_gather(p_v, [jnp.full((L,), D, jnp.int32)])

        FB = 64
        fb = sid * FB

        def _scale_rows(n1):
            def row_body(r, _):
                for kk in range(KS):
                    sl = pl.ds(kk * L, L)
                    rrows1[r, sl] = rrows1[r, sl] * wk[kk]
                return 0
            lax.fori_loop(0, n1, row_body, 0, unroll=2)

        @pl.when(sid < 15)
        def _():
            pltpu.sync_copy(rel_hbm.at[pl.ds(fb, FB)],
                            rrows1.at[pl.ds(0, FB)])
            _scale_rows(FB)
            pltpu.sync_copy(rrows1.at[pl.ds(0, FB)],
                            rw_shared.at[pl.ds(fb, FB)])

        @pl.when(sid == 15)
        def _():
            pltpu.sync_copy(rel_hbm.at[pl.ds(15 * FB, NR - 15 * FB)],
                            rrows1.at[pl.ds(0, NR - 15 * FB)])
            _scale_rows(NR - 15 * FB)
            pltpu.sync_copy(rrows1.at[pl.ds(0, NR - 15 * FB)],
                            rw_shared.at[pl.ds(15 * FB, NR - 15 * FB)])

        plsc.subcore_barrier()
        ci_r.wait()
        c0r = issue_r(0, 0)

        iota = lax.iota(jnp.int32, L)
        zeros = jnp.zeros((L,), jnp.float32)
        last = jnp.full((L,), L - 1, jnp.int32)

        def compute(c, s):
            hr, tr, rr = hbufs[s], tbufs[s], rbufs[s]

            def group_body(g):
                def triple_body(i, res):
                    r = g * L + i
                    acc = hr[r, pl.ds(0, L)] * tr[r, pl.ds(0, L)] \
                        * rr[r, pl.ds(0, L)]
                    for kk in range(1, KS):
                        sl = pl.ds(kk * L, L)
                        acc = acc + hr[r, sl] * tr[r, sl] * rr[r, sl]
                    tvec = lax.gather(
                        jnp.cumsum(acc), last[:, None],
                        dimension_numbers=lax.GatherDimensionNumbers(
                            offset_dims=(), collapsed_slice_dims=(0,),
                            start_index_map=(0,)),
                        slice_sizes=(1,),
                        mode=lax.GatherScatterMode.PROMISE_IN_BOUNDS)
                    return jnp.where(iota == i, tvec, res)

                res = plsc.parallel_loop(0, L, carry=zeros)(triple_body)
                ob = pl.multiple_of(c * CH + g * L, 16)
                out_v[pl.ds(ob, L)] = res + bvec

            plsc.parallel_loop(0, CH // L)(group_body)

        cps = (c0h, c0t, c0r)
        for c in range(n_chunks):
            s = c % 2
            for cp in cps:
                cp.wait()
            if c + 1 < n_chunks:
                nxt = issue(c + 1, (c + 1) % 2)
            compute(c, s)
            if c + 1 < n_chunks:
                cps = nxt

        pltpu.sync_copy(out_v, out_hbm.at[pl.ds(base, per_w)])

    return k


def kernel(heads, relations, tails, entity_table, relation_table, W, b):
    batch = heads.shape[0]
    nw = NUM_CORES * NUM_SUBCORES
    per_w = batch // nw
    k = _score_kernel(batch, per_w, NUM_CORES)
    return k(heads.astype(jnp.int32), relations.astype(jnp.int32),
             tails.astype(jnp.int32), entity_table, relation_table,
             W.reshape(D).astype(jnp.float32), b.astype(jnp.float32))

# --- scband reference (transcript-rebuilt; emitter-appended) ---
"""Pipeline reference for scband-knowledge-graph-embedder-22926535426536 (READ-ONLY COPY).

The authoritative reference and input builder live on the scoring server;
editing this copy changes nothing except your own understanding.
"""

import jax, jax.numpy as jnp
import numpy as np

MAX_ENTITIES = 100000
MAX_RELATIONS = 1000
EMBED_DIM = 128
BATCH = 16384

def setup_inputs(seed: int = 0) -> dict:
    key = jax.random.key(seed)
    k1, k2, k3, k4, k5, k6, k7 = jax.random.split(key, 7)
    heads = jax.random.randint(k1, (BATCH,), 0, MAX_ENTITIES, dtype=jnp.int64 if jax.config.jax_enable_x64 else jnp.int32)
    relations = jax.random.randint(k2, (BATCH,), 0, MAX_RELATIONS, dtype=jnp.int64 if jax.config.jax_enable_x64 else jnp.int32)
    tails = jax.random.randint(k3, (BATCH,), 0, MAX_ENTITIES, dtype=jnp.int64 if jax.config.jax_enable_x64 else jnp.int32)
    entity_table = jax.random.normal(k4, (MAX_ENTITIES, EMBED_DIM), dtype=jnp.float32)
    relation_table = jax.random.normal(k5, (MAX_RELATIONS, EMBED_DIM), dtype=jnp.float32)
    # nn.Linear(embedding_dim, 1): weight [1, D], bias [1]
    bound = 1.0 / np.sqrt(EMBED_DIM)
    W = jax.random.uniform(k6, (1, EMBED_DIM), minval=-bound, maxval=bound, dtype=jnp.float32)
    b = jax.random.uniform(k7, (1,), minval=-bound, maxval=bound, dtype=jnp.float32)
    return {"heads": heads, "relations": relations, "tails": tails,
            "entity_table": entity_table, "relation_table": relation_table,
            "W": W, "b": b}

def reference(heads, relations, tails, entity_table, relation_table, W, b):
    head_embeds = jnp.take(entity_table, heads, axis=0)
    tail_embeds = jnp.take(entity_table, tails, axis=0)
    rel_embeds = jnp.take(relation_table, relations, axis=0)
    combined = head_embeds * rel_embeds * tail_embeds
    scores = combined @ W.T + b  # [BATCH, 1]
    return jnp.squeeze(scores, axis=-1)

if __name__ == "__main__":
    import jax
    _d = setup_inputs()
    print(jax.jit(kernel)(*tuple(_d.values())))

</pallas_src>

<mosaic_0001>
#map = affine_map<(d0, d1) -> (0)>
#map1 = affine_map<(d0, d1) -> (0, 0)>
module attributes {stable_mosaic.version = 14 : i64} {
  func.func @k(%arg0: i32, %arg1: i32, %arg2: memref<16384xi32, #tpu.memory_space<hbm>>, %arg3: memref<16384xi32, #tpu.memory_space<hbm>>, %arg4: memref<16384xi32, #tpu.memory_space<hbm>>, %arg5: memref<100000x128xf32, #tpu.memory_space<hbm>>, %arg6: memref<1000x128xf32, #tpu.memory_space<hbm>>, %arg7: memref<128xf32, #tpu.memory_space<hbm>>, %arg8: memref<1xf32, #tpu.memory_space<hbm>>, %arg9: memref<16384xf32, #tpu.memory_space<hbm>>, %arg10: memref<512xi32, #tpu.memory_space<vmem>>, %arg11: memref<512xi32, #tpu.memory_space<vmem>>, %arg12: memref<512xi32, #tpu.memory_space<vmem>>, %arg13: memref<128x128xf32, #tpu.memory_space<vmem>>, %arg14: memref<128x128xf32, #tpu.memory_space<vmem>>, %arg15: memref<128x128xf32, #tpu.memory_space<vmem>>, %arg16: memref<128x128xf32, #tpu.memory_space<vmem>>, %arg17: memref<128x128xf32, #tpu.memory_space<vmem>>, %arg18: memref<128x128xf32, #tpu.memory_space<vmem>>, %arg19: memref<136xf32, #tpu.memory_space<vmem>>, %arg20: memref<512xf32, #tpu.memory_space<vmem>>, %arg21: memref<1000x128xf32, #tpu.memory_space<vmem_shared>>, %arg22: memref<!tpu.dma_semaphore, #tpu.memory_space<semaphore_mem>>, %arg23: memref<!tpu.dma_semaphore, #tpu.memory_space<semaphore_mem>>, %arg24: memref<!tpu.dma_semaphore, #tpu.memory_space<semaphore_mem>>, %arg25: memref<!tpu.dma_semaphore, #tpu.memory_space<semaphore_mem>>, %arg26: memref<!tpu.dma_semaphore, #tpu.memory_space<semaphore_mem>>, %arg27: memref<!tpu.dma_semaphore, #tpu.memory_space<semaphore_mem>>, %arg28: memref<!tpu.dma_semaphore, #tpu.memory_space<semaphore_mem>>, %arg29: memref<!tpu.dma_semaphore, #tpu.memory_space<semaphore_mem>>) attributes {dimension_semantics = [#tpu.dimension_semantics<core_parallel>, #tpu.dimension_semantics<subcore_parallel>], iteration_bounds = array<i64: 2, 16>, scalar_prefetch = 0 : i64, scratch_operands = 20 : i64, tpu.core_type = #tpu.core_type<sc_vector_subcore>, window_params = [{transform_indices = #map}, {transform_indices = #map}, {transform_indices = #map}, {transform_indices = #map1}, {transform_indices = #map1}, {transform_indices = #map}, {transform_indices = #map}, {transform_indices = #map}]} {
    %mul3A = arith.constant 2 : i32
    %mul3A_0 = arith.muli %arg1, %mul3A : i32
    %add3A = arith.addi %mul3A_0, %arg0 : i32
    %mul3A_1 = arith.constant 512 : i32
    %mul3A_2 = arith.muli %add3A, %mul3A_1 : i32
    %dma_start3A = tpu.memref_slice %arg2[%mul3A_2] : memref<16384xi32, #tpu.memory_space<hbm>> -> memref<512xi32, #tpu.memory_space<hbm>>
    %dma_start3A_3 = tpu.memref_slice %arg2[%mul3A_2] : memref<16384xi32, #tpu.memory_space<hbm>> -> memref<512xi32, #tpu.memory_space<hbm>>
    tpu.enqueue_dma source(%dma_start3A_3 : memref<512xi32, #tpu.memory_space<hbm>>) target(%arg10 : memref<512xi32, #tpu.memory_space<vmem>>) target_semaphore(%arg23 : memref<!tpu.dma_semaphore, #tpu.memory_space<semaphore_mem>>)
    %dma_start3A_4 = tpu.memref_slice %arg4[%mul3A_2] : memref<16384xi32, #tpu.memory_space<hbm>> -> memref<512xi32, #tpu.memory_space<hbm>>
    %dma_start3A_5 = tpu.memref_slice %arg4[%mul3A_2] : memref<16384xi32, #tpu.memory_space<hbm>> -> memref<512xi32, #tpu.memory_space<hbm>>
    tpu.enqueue_dma source(%dma_start3A_5 : memref<512xi32, #tpu.memory_space<hbm>>) target(%arg11 : memref<512xi32, #tpu.memory_space<vmem>>) target_semaphore(%arg25 : memref<!tpu.dma_semaphore, #tpu.memory_space<semaphore_mem>>)
    %dma_start3A_6 = tpu.memref_slice %arg3[%mul3A_2] : memref<16384xi32, #tpu.memory_space<hbm>> -> memref<512xi32, #tpu.memory_space<hbm>>
    %dma_start3A_7 = tpu.memref_slice %arg3[%mul3A_2] : memref<16384xi32, #tpu.memory_space<hbm>> -> memref<512xi32, #tpu.memory_space<hbm>>
    tpu.enqueue_dma source(%dma_start3A_7 : memref<512xi32, #tpu.memory_space<hbm>>) target(%arg12 : memref<512xi32, #tpu.memory_space<vmem>>) target_semaphore(%arg27 : memref<!tpu.dma_semaphore, #tpu.memory_space<semaphore_mem>>)
    %dma_start3A_8 = arith.constant 0 : i32
    %dma_start3A_9 = tpu.memref_slice %arg19[%dma_start3A_8] : memref<136xf32, #tpu.memory_space<vmem>> -> memref<128xf32, #tpu.memory_space<vmem>>
    %dma_start3A_10 = arith.constant 0 : i32
    %dma_start3A_11 = tpu.memref_slice %arg19[%dma_start3A_10] : memref<136xf32, #tpu.memory_space<vmem>> -> memref<128xf32, #tpu.memory_space<vmem>>
    tpu.enqueue_dma source(%arg7 : memref<128xf32, #tpu.memory_space<hbm>>) target(%dma_start3A_11 : memref<128xf32, #tpu.memory_space<vmem>>) target_semaphore(%arg28 : memref<!tpu.dma_semaphore, #tpu.memory_space<semaphore_mem>>)
    %dma_start3A_12 = arith.constant 128 : i32
    %dma_start3A_13 = tpu.memref_slice %arg19[%dma_start3A_12] : memref<136xf32, #tpu.memory_space<vmem>> -> memref<1xf32, #tpu.memory_space<vmem>>
    %dma_start3A_14 = arith.constant 128 : i32
    %dma_start3A_15 = tpu.memref_slice %arg19[%dma_start3A_14] : memref<136xf32, #tpu.memory_space<vmem>> -> memref<1xf32, #tpu.memory_space<vmem>>
    tpu.enqueue_dma source(%arg8 : memref<1xf32, #tpu.memory_space<hbm>>) target(%dma_start3A_15 : memref<1xf32, #tpu.memory_space<vmem>>) target_semaphore(%arg29 : memref<!tpu.dma_semaphore, #tpu.memory_space<semaphore_mem>>)
    %dma_wait3A = tpu.memref_slice %arg2[%mul3A_2] : memref<16384xi32, #tpu.memory_space<hbm>> -> memref<512xi32, #tpu.memory_space<hbm>>
    %dma_wait3A_16 = tpu.memref_slice %arg2[%mul3A_2] : memref<16384xi32, #tpu.memory_space<hbm>> -> memref<512xi32, #tpu.memory_space<hbm>>
    tpu.wait_dma2 semaphore(%arg23 : memref<!tpu.dma_semaphore, #tpu.memory_space<semaphore_mem>>) src(%dma_wait3A_16 : memref<512xi32, #tpu.memory_space<hbm>>) dst(%arg10 : memref<512xi32, #tpu.memory_space<vmem>>)
    %dma_wait3A_17 = tpu.memref_slice %arg4[%mul3A_2] : memref<16384xi32, #tpu.memory_space<hbm>> -> memref<512xi32, #tpu.memory_space<hbm>>
    %dma_wait3A_18 = tpu.memref_slice %arg4[%mul3A_2] : memref<16384xi32, #tpu.memory_space<hbm>> -> memref<512xi32, #tpu.memory_space<hbm>>
    tpu.wait_dma2 semaphore(%arg25 : memref<!tpu.dma_semaphore, #tpu.memory_space<semaphore_mem>>) src(%dma_wait3A_18 : memref<512xi32, #tpu.memory_space<hbm>>) dst(%arg11 : memref<512xi32, #tpu.memory_space<vmem>>)
    %dma_start3A_19 = arith.constant 0 : i32
    %dma_start3A_20 = tpu.memref_slice %arg10[%dma_start3A_19] : memref<512xi32, #tpu.memory_space<vmem>> -> memref<128xi32, #tpu.memory_space<vmem>>
    %dma_start3A_21 = arith.constant 0 : i32
    %dma_start3A_22 = arith.constant 0 : i32
    %dma_start3A_23 = tpu.memref_slice %arg5[%dma_start3A_21, %dma_start3A_22] : memref<100000x128xf32, #tpu.memory_space<hbm>> -> memref<100000x128xf32, #tpu.memory_space<hbm>>
    tpu.enqueue_indirect_dma source(%dma_start3A_23 : memref<100000x128xf32, #tpu.memory_space<hbm>>) target(%arg13 : memref<128x128xf32, #tpu.memory_space<vmem>>) offsets(%dma_start3A_20 : memref<128xi32, #tpu.memory_space<vmem>>) semaphore(%arg22 : memref<!tpu.dma_semaphore, #tpu.memory_space<semaphore_mem>>)
    %dma_start3A_24 = arith.constant 0 : i32
    %dma_start3A_25 = tpu.memref_slice %arg11[%dma_start3A_24] : memref<512xi32, #tpu.memory_space<vmem>> -> memref<128xi32, #tpu.memory_space<vmem>>
    %dma_start3A_26 = arith.constant 0 : i32
    %dma_start3A_27 = arith.constant 0 : i32
    %dma_start3A_28 = tpu.memref_slice %arg5[%dma_start3A_26, %dma_start3A_27] : memref<100000x128xf32, #tpu.memory_space<hbm>> -> memref<100000x128xf32, #tpu.memory_space<hbm>>
    tpu.enqueue_indirect_dma source(%dma_start3A_28 : memref<100000x128xf32, #tpu.memory_space<hbm>>) target(%arg15 : memref<128x128xf32, #tpu.memory_space<vmem>>) offsets(%dma_start3A_25 : memref<128xi32, #tpu.memory_space<vmem>>) semaphore(%arg24 : memref<!tpu.dma_semaphore, #tpu.memory_space<semaphore_mem>>)
    %dma_wait3A_29 = arith.constant 0 : i32
    %dma_wait3A_30 = tpu.memref_slice %arg19[%dma_wait3A_29] : memref<136xf32, #tpu.memory_space<vmem>> -> memref<128xf32, #tpu.memory_space<vmem>>
    %dma_wait3A_31 = arith.constant 0 : i32
    %dma_wait3A_32 = tpu.memref_slice %arg19[%dma_wait3A_31] : memref<136xf32, #tpu.memory_space<vmem>> -> memref<128xf32, #tpu.memory_space<vmem>>
    tpu.wait_dma2 semaphore(%arg28 : memref<!tpu.dma_semaphore, #tpu.memory_space<semaphore_mem>>) src(%arg7 : memref<128xf32, #tpu.memory_space<hbm>>) dst(%dma_wait3A_32 : memref<128xf32, #tpu.memory_space<vmem>>)
    %dma_wait3A_33 = arith.constant 128 : i32
    %dma_wait3A_34 = tpu.memref_slice %arg19[%dma_wait3A_33] : memref<136xf32, #tpu.memory_space<vmem>> -> memref<1xf32, #tpu.memory_space<vmem>>
    %dma_wait3A_35 = arith.constant 128 : i32
    %dma_wait3A_36 = tpu.memref_slice %arg19[%dma_wait3A_35] : memref<136xf32, #tpu.memory_space<vmem>> -> memref<1xf32, #tpu.memory_space<vmem>>
    tpu.wait_dma2 semaphore(%arg29 : memref<!tpu.dma_semaphore, #tpu.memory_space<semaphore_mem>>) src(%arg8 : memref<1xf32, #tpu.memory_space<hbm>>) dst(%dma_wait3A_36 : memref<1xf32, #tpu.memory_space<vmem>>)
    %get3A = arith.constant 0 : index
    %get3A_37 = tpu.vector_load %arg19[%get3A] {strides = array<i32>} : memref<136xf32, #tpu.memory_space<vmem>>, vector<16xf32>,
    %get3A_38 = arith.constant 16 : index
    %get3A_39 = tpu.vector_load %arg19[%get3A_38] {strides = array<i32>} : memref<136xf32, #tpu.memory_space<vmem>>, vector<16xf32>,
    %get3A_40 = arith.constant 32 : index
    %get3A_41 = tpu.vector_load %arg19[%get3A_40] {strides = array<i32>} : memref<136xf32, #tpu.memory_space<vmem>>, vector<16xf32>,
    %get3A_42 = arith.constant 48 : index
    %get3A_43 = tpu.vector_load %arg19[%get3A_42] {strides = array<i32>} : memref<136xf32, #tpu.memory_space<vmem>>, vector<16xf32>,
    %get3A_44 = arith.constant 64 : index
    %get3A_45 = tpu.vector_load %arg19[%get3A_44] {strides = array<i32>} : memref<136xf32, #tpu.memory_space<vmem>>, vector<16xf32>,
    %get3A_46 = arith.constant 80 : index
    %get3A_47 = tpu.vector_load %arg19[%get3A_46] {strides = array<i32>} : memref<136xf32, #tpu.memory_space<vmem>>, vector<16xf32>,
    %get3A_48 = arith.constant 96 : index
    %get3A_49 = tpu.vector_load %arg19[%get3A_48] {strides = array<i32>} : memref<136xf32, #tpu.memory_space<vmem>>, vector<16xf32>,
    %get3A_50 = arith.constant 112 : index
    %get3A_51 = tpu.vector_load %arg19[%get3A_50] {strides = array<i32>} : memref<136xf32, #tpu.memory_space<vmem>>, vector<16xf32>,
    %broadcast_in_dim3A = arith.constant 128 : i32
    %broadcast_in_dim3A_52 = vector.broadcast %broadcast_in_dim3A : i32 to vector<16xi32>
    %gather3A = tpu.vector_load_idx %arg19[%broadcast_in_dim3A_52] : memref<136xf32, #tpu.memory_space<vmem>>[vector<16xi32>], vector<16xf32>,
    %mul3A_53 = arith.constant 64 : i32
    %mul3A_54 = arith.muli %arg1, %mul3A_53 : i32
    %lt3A = arith.constant 15 : i32
    %lt3A_55 = arith.cmpi slt, %arg1, %lt3A : i32
    %convert_element_type3A = arith.extui %lt3A_55 : i1 to i32
    %cond3A = arith.constant 0 : i32
    %cond3A_56 = arith.cmpi ne, %convert_element_type3A, %cond3A : i32
    scf.if %cond3A_56 {
      "tpu.region"() ({
        %run_scoped3A = tpu.sem_alloc : memref<!tpu.dma_semaphore, #tpu.memory_space<semaphore_mem>>
        %dma_start3A_194 = arith.constant 0 : i32
        %dma_start3A_195 = arith.constant 0 : i32
        %dma_start3A_196 = tpu.memref_slice %arg18[%dma_start3A_194, %dma_start3A_195] : memref<128x128xf32, #tpu.memory_space<vmem>> -> memref<64x128xf32, #tpu.memory_space<vmem>>
        %dma_start3A_197 = arith.constant 0 : i32
        %dma_start3A_198 = tpu.memref_slice %arg6[%mul3A_54, %dma_start3A_197] : memref<1000x128xf32, #tpu.memory_space<hbm>> -> memref<64x128xf32, #tpu.memory_space<hbm>>
        %dma_start3A_199 = arith.constant 0 : i32
        %dma_start3A_200 = arith.constant 0 : i32
        %dma_start3A_201 = tpu.memref_slice %arg18[%dma_start3A_199, %dma_start3A_200] : memref<128x128xf32, #tpu.memory_space<vmem>> -> memref<64x128xf32, #tpu.memory_space<vmem>>
        %dma_start3A_202 = arith.constant 0 : i32
        %dma_start3A_203 = tpu.memref_slice %arg6[%mul3A_54, %dma_start3A_202] : memref<1000x128xf32, #tpu.memory_space<hbm>> -> memref<64x128xf32, #tpu.memory_space<hbm>>
        tpu.enqueue_dma source(%dma_start3A_203 : memref<64x128xf32, #tpu.memory_space<hbm>>) target(%dma_start3A_201 : memref<64x128xf32, #tpu.memory_space<vmem>>) target_semaphore(%run_scoped3A : memref<!tpu.dma_semaphore, #tpu.memory_space<semaphore_mem>>)
        %dma_wait3A_204 = arith.constant 0 : i32
        %dma_wait3A_205 = arith.constant 0 : i32
        %dma_wait3A_206 = tpu.memref_slice %arg18[%dma_wait3A_204, %dma_wait3A_205] : memref<128x128xf32, #tpu.memory_space<vmem>> -> memref<64x128xf32, #tpu.memory_space<vmem>>
        %dma_wait3A_207 = arith.constant 0 : i32
        %dma_wait3A_208 = tpu.memref_slice %arg6[%mul3A_54, %dma_wait3A_207] : memref<1000x128xf32, #tpu.memory_space<hbm>> -> memref<64x128xf32, #tpu.memory_space<hbm>>
        %dma_wait3A_209 = arith.constant 0 : i32
        %dma_wait3A_210 = arith.constant 0 : i32
        %dma_wait3A_211 = tpu.memref_slice %arg18[%dma_wait3A_209, %dma_wait3A_210] : memref<128x128xf32, #tpu.memory_space<vmem>> -> memref<64x128xf32, #tpu.memory_space<vmem>>
        %dma_wait3A_212 = arith.constant 0 : i32
        %dma_wait3A_213 = tpu.memref_slice %arg6[%mul3A_54, %dma_wait3A_212] : memref<1000x128xf32, #tpu.memory_space<hbm>> -> memref<64x128xf32, #tpu.memory_space<hbm>>
        tpu.wait_dma2 semaphore(%run_scoped3A : memref<!tpu.dma_semaphore, #tpu.memory_space<semaphore_mem>>) src(%dma_wait3A_213 : memref<64x128xf32, #tpu.memory_space<hbm>>) dst(%dma_wait3A_211 : memref<64x128xf32, #tpu.memory_space<vmem>>)
        tpu.yield
      }) : () -> ()
      %scan3A = arith.constant 0 : i32
      %scan3A_188 = arith.constant 0 : i32
      %scan3A_189 = arith.constant 64 : i32
      %scan3A_190 = arith.addi %scan3A_188, %scan3A_189 : i32
      %scan3A_191 = arith.constant 2 : i32
      %scan3A_192 = scf.for %scan3A_194 = %scan3A_188 to %scan3A_190 step %scan3A_191 iter_args(%scan3A_195 = %scan3A) -> (i32)  : i32 {
        %get3A_196 = arith.index_cast %scan3A_194 : i32 to index
        %get3A_197 = arith.constant 0 : index
        %get3A_198 = tpu.vector_load %arg18[%get3A_196, %get3A_197] {strides = array<i32>} : memref<128x128xf32, #tpu.memory_space<vmem>>, vector<16xf32>,
        %mul3A_199 = arith.mulf %get3A_198, %get3A_37 : vector<16xf32>
        %swap3A = arith.index_cast %scan3A_194 : i32 to index
        %swap3A_200 = arith.constant 0 : index
        %swap3A_201 = tpu.vector_load %arg18[%swap3A, %swap3A_200] {strides = array<i32>} : memref<128x128xf32, #tpu.memory_space<vmem>>, vector<16xf32>,
        tpu.vector_store %arg18[%swap3A, %swap3A_200], %mul3A_199 {strides = array<i32>} : memref<128x128xf32, #tpu.memory_space<vmem>>, vector<16xf32>,
        %get3A_202 = arith.index_cast %scan3A_194 : i32 to index
        %get3A_203 = arith.constant 16 : index
        %get3A_204 = tpu.vector_load %arg18[%get3A_202, %get3A_203] {strides = array<i32>} : memref<128x128xf32, #tpu.memory_space<vmem>>, vector<16xf32>,
        %mul3A_205 = arith.mulf %get3A_204, %get3A_39 : vector<16xf32>
        %swap3A_206 = arith.index_cast %scan3A_194 : i32 to index
        %swap3A_207 = arith.constant 16 : index
        %swap3A_208 = tpu.vector_load %arg18[%swap3A_206, %swap3A_207] {strides = array<i32>} : memref<128x128xf32, #tpu.memory_space<vmem>>, vector<16xf32>,
        tpu.vector_store %arg18[%swap3A_206, %swap3A_207], %mul3A_205 {strides = array<i32>} : memref<128x128xf32, #tpu.memory_space<vmem>>, vector<16xf32>,
        %get3A_209 = arith.index_cast %scan3A_194 : i32 to index
        %get3A_210 = arith.constant 32 : index
        %get3A_211 = tpu.vector_load %arg18[%get3A_209, %get3A_210] {strides = array<i32>} : memref<128x128xf32, #tpu.memory_space<vmem>>, vector<16xf32>,
        %mul3A_212 = arith.mulf %get3A_211, %get3A_41 : vector<16xf32>
        %swap3A_213 = arith.index_cast %scan3A_194 : i32 to index
        %swap3A_214 = arith.constant 32 : index
        %swap3A_215 = tpu.vector_load %arg18[%swap3A_213, %swap3A_214] {strides = array<i32>} : memref<128x128xf32, #tpu.memory_space<vmem>>, vector<16xf32>,
        tpu.vector_store %arg18[%swap3A_213, %swap3A_214], %mul3A_212 {strides = array<i32>} : memref<128x128xf32, #tpu.memory_space<vmem>>, vector<16xf32>,
        %get3A_216 = arith.index_cast %scan3A_194 : i32 to index
        %get3A_217 = arith.constant 48 : index
        %get3A_218 = tpu.vector_load %arg18[%get3A_216, %get3A_217] {strides = array<i32>} : memref<128x128xf32, #tpu.memory_space<vmem>>, vector<16xf32>,
        %mul3A_219 = arith.mulf %get3A_218, %get3A_43 : vector<16xf32>
        %swap3A_220 = arith.index_cast %scan3A_194 : i32 to index
        %swap3A_221 = arith.constant 48 : index
        %swap3A_222 = tpu.vector_load %arg18[%swap3A_220, %swap3A_221] {strides = array<i32>} : memref<128x128xf32, #tpu.memory_space<vmem>>, vector<16xf32>,
        tpu.vector_store %arg18[%swap3A_220, %swap3A_221], %mul3A_219 {strides = array<i32>} : memref<128x128xf32, #tpu.memory_space<vmem>>, vector<16xf32>,
        %get3A_223 = arith.index_cast %scan3A_194 : i32 to index
        %get3A_224 = arith.constant 64 : index
        %get3A_225 = tpu.vector_load %arg18[%get3A_223, %get3A_224] {strides = array<i32>} : memref<128x128xf32, #tpu.memory_space<vmem>>, vector<16xf32>,
        %mul3A_226 = arith.mulf %get3A_225, %get3A_45 : vector<16xf32>
        %swap3A_227 = arith.index_cast %scan3A_194 : i32 to index
        %swap3A_228 = arith.constant 64 : index
        %swap3A_229 = tpu.vector_load %arg18[%swap3A_227, %swap3A_228] {strides = array<i32>} : memref<128x128xf32, #tpu.memory_space<vmem>>, vector<16xf32>,
        tpu.vector_store %arg18[%swap3A_227, %swap3A_228], %mul3A_226 {strides = array<i32>} : memref<128x128xf32, #tpu.memory_space<vmem>>, vector<16xf32>,
        %get3A_230 = arith.index_cast %scan3A_194 : i32 to index
        %get3A_231 = arith.constant 80 : index
        %get3A_232 = tpu.vector_load %arg18[%get3A_230, %get3A_231] {strides = array<i32>} : memref<128x128xf32, #tpu.memory_space<vmem>>, vector<16xf32>,
        %mul3A_233 = arith.mulf %get3A_232, %get3A_47 : vector<16xf32>
        %swap3A_234 = arith.index_cast %scan3A_194 : i32 to index
        %swap3A_235 = arith.constant 80 : index
        %swap3A_236 = tpu.vector_load %arg18[%swap3A_234, %swap3A_235] {strides = array<i32>} : memref<128x128xf32, #tpu.memory_space<vmem>>, vector<16xf32>,
        tpu.vector_store %arg18[%swap3A_234, %swap3A_235], %mul3A_233 {strides = array<i32>} : memref<128x128xf32, #tpu.memory_space<vmem>>, vector<16xf32>,
        %get3A_237 = arith.index_cast %scan3A_194 : i32 to index
        %get3A_238 = arith.constant 96 : index
        %get3A_239 = tpu.vector_load %arg18[%get3A_237, %get3A_238] {strides = array<i32>} : memref<128x128xf32, #tpu.memory_space<vmem>>, vector<16xf32>,
        %mul3A_240 = arith.mulf %get3A_239, %get3A_49 : vector<16xf32>
        %swap3A_241 = arith.index_cast %scan3A_194 : i32 to index
        %swap3A_242 = arith.constant 96 : index
        %swap3A_243 = tpu.vector_load %arg18[%swap3A_241, %swap3A_242] {strides = array<i32>} : memref<128x128xf32, #tpu.memory_space<vmem>>, vector<16xf32>,
        tpu.vector_store %arg18[%swap3A_241, %swap3A_242], %mul3A_240 {strides = array<i32>} : memref<128x128xf32, #tpu.memory_space<vmem>>, vector<16xf32>,
        %get3A_244 = arith.index_cast %scan3A_194 : i32 to index
        %get3A_245 = arith.constant 112 : index
        %get3A_246 = tpu.vector_load %arg18[%get3A_244, %get3A_245] {strides = array<i32>} : memref<128x128xf32, #tpu.memory_space<vmem>>, vector<16xf32>,
        %mul3A_247 = arith.mulf %get3A_246, %get3A_51 : vector<16xf32>
        %swap3A_248 = arith.index_cast %scan3A_194 : i32 to index
        %swap3A_249 = arith.constant 112 : index
        %swap3A_250 = tpu.vector_load %arg18[%swap3A_248, %swap3A_249] {strides = array<i32>} : memref<128x128xf32, #tpu.memory_space<vmem>>, vector<16xf32>,
        tpu.vector_store %arg18[%swap3A_248, %swap3A_249], %mul3A_247 {strides = array<i32>} : memref<128x128xf32, #tpu.memory_space<vmem>>, vector<16xf32>,
        %scan3A_251 = arith.constant 0 : i32
        %scan3A_252 = arith.constant 1 : i32
        %scan3A_253 = arith.addi %scan3A_194, %scan3A_252 : i32
        %get3A_254 = arith.index_cast %scan3A_253 : i32 to index
        %get3A_255 = arith.constant 0 : index
        %get3A_256 = tpu.vector_load %arg18[%get3A_254, %get3A_255] {strides = array<i32>} : memref<128x128xf32, #tpu.memory_space<vmem>>, vector<16xf32>,
        %mul3A_257 = arith.mulf %get3A_256, %get3A_37 : vector<16xf32>
        %swap3A_258 = arith.index_cast %scan3A_253 : i32 to index
        %swap3A_259 = arith.constant 0 : index
        %swap3A_260 = tpu.vector_load %arg18[%swap3A_258, %swap3A_259] {strides = array<i32>} : memref<128x128xf32, #tpu.memory_space<vmem>>, vector<16xf32>,
        tpu.vector_store %arg18[%swap3A_258, %swap3A_259], %mul3A_257 {strides = array<i32>} : memref<128x128xf32, #tpu.memory_space<vmem>>, vector<16xf32>,
        %get3A_261 = arith.index_cast %scan3A_253 : i32 to index
        %get3A_262 = arith.constant 16 : index
        %get3A_263 = tpu.vector_load %arg18[%get3A_261, %get3A_262] {strides = array<i32>} : memref<128x128xf32, #tpu.memory_space<vmem>>, vector<16xf32>,
        %mul3A_264 = arith.mulf %get3A_263, %get3A_39 : vector<16xf32>
        %swap3A_265 = arith.index_cast %scan3A_253 : i32 to index
        %swap3A_266 = arith.constant 16 : index
        %swap3A_267 = tpu.vector_load %arg18[%swap3A_265, %swap3A_266] {strides = array<i32>} : memref<128x128xf32, #tpu.memory_space<vmem>>, vector<16xf32>,
        tpu.vector_store %arg18[%swap3A_265, %swap3A_266], %mul3A_264 {strides = array<i32>} : memref<128x128xf32, #tpu.memory_space<vmem>>, vector<16xf32>,
        %get3A_268 = arith.index_cast %scan3A_253 : i32 to index
        %get3A_269 = arith.constant 32 : index
        %get3A_270 = tpu.vector_load %arg18[%get3A_268, %get3A_269] {strides = array<i32>} : memref<128x128xf32, #tpu.memory_space<vmem>>, vector<16xf32>,
        %mul3A_271 = arith.mulf %get3A_270, %get3A_41 : vector<16xf32>
        %swap3A_272 = arith.index_cast %scan3A_253 : i32 to index
        %swap3A_273 = arith.constant 32 : index
        %swap3A_274 = tpu.vector_load %arg18[%swap3A_272, %swap3A_273] {strides = array<i32>} : memref<128x128xf32, #tpu.memory_space<vmem>>, vector<16xf32>,
        tpu.vector_store %arg18[%swap3A_272, %swap3A_273], %mul3A_271 {strides = array<i32>} : memref<128x128xf32, #tpu.memory_space<vmem>>, vector<16xf32>,
        %get3A_275 = arith.index_cast %scan3A_253 : i32 to index
        %get3A_276 = arith.constant 48 : index
        %get3A_277 = tpu.vector_load %arg18[%get3A_275, %get3A_276] {strides = array<i32>} : memref<128x128xf32, #tpu.memory_space<vmem>>, vector<16xf32>,
        %mul3A_278 = arith.mulf %get3A_277, %get3A_43 : vector<16xf32>
        %swap3A_279 = arith.index_cast %scan3A_253 : i32 to index
        %swap3A_280 = arith.constant 48 : index
        %swap3A_281 = tpu.vector_load %arg18[%swap3A_279, %swap3A_280] {strides = array<i32>} : memref<128x128xf32, #tpu.memory_space<vmem>>, vector<16xf32>,
        tpu.vector_store %arg18[%swap3A_279, %swap3A_280], %mul3A_278 {strides = array<i32>} : memref<128x128xf32, #tpu.memory_space<vmem>>, vector<16xf32>,
        %get3A_282 = arith.index_cast %scan3A_253 : i32 to index
        %get3A_283 = arith.constant 64 : index
        %get3A_284 = tpu.vector_load %arg18[%get3A_282, %get3A_283] {strides = array<i32>} : memref<128x128xf32, #tpu.memory_space<vmem>>, vector<16xf32>,
        %mul3A_285 = arith.mulf %get3A_284, %get3A_45 : vector<16xf32>
        %swap3A_286 = arith.index_cast %scan3A_253 : i32 to index
        %swap3A_287 = arith.constant 64 : index
        %swap3A_288 = tpu.vector_load %arg18[%swap3A_286, %swap3A_287] {strides = array<i32>} : memref<128x128xf32, #tpu.memory_space<vmem>>, vector<16xf32>,
        tpu.vector_store %arg18[%swap3A_286, %swap3A_287], %mul3A_285 {strides = array<i32>} : memref<128x128xf32, #tpu.memory_space<vmem>>, vector<16xf32>,
        %get3A_289 = arith.index_cast %scan3A_253 : i32 to index
        %get3A_290 = arith.constant 80 : index
        %get3A_291 = tpu.vector_load %arg18[%get3A_289, %get3A_290] {strides = array<i32>} : memref<128x128xf32, #tpu.memory_space<vmem>>, vector<16xf32>,
        %mul3A_292 = arith.mulf %get3A_291, %get3A_47 : vector<16xf32>
        %swap3A_293 = arith.index_cast %scan3A_253 : i32 to index
        %swap3A_294 = arith.constant 80 : index
        %swap3A_295 = tpu.vector_load %arg18[%swap3A_293, %swap3A_294] {strides = array<i32>} : memref<128x128xf32, #tpu.memory_space<vmem>>, vector<16xf32>,
        tpu.vector_store %arg18[%swap3A_293, %swap3A_294], %mul3A_292 {strides = array<i32>} : memref<128x128xf32, #tpu.memory_space<vmem>>, vector<16xf32>,
        %get3A_296 = arith.index_cast %scan3A_253 : i32 to index
        %get3A_297 = arith.constant 96 : index
        %get3A_298 = tpu.vector_load %arg18[%get3A_296, %get3A_297] {strides = array<i32>} : memref<128x128xf32, #tpu.memory_space<vmem>>, vector<16xf32>,
        %mul3A_299 = arith.mulf %get3A_298, %get3A_49 : vector<16xf32>
        %swap3A_300 = arith.index_cast %scan3A_253 : i32 to index
        %swap3A_301 = arith.constant 96 : index
        %swap3A_302 = tpu.vector_load %arg18[%swap3A_300, %swap3A_301] {strides = array<i32>} : memref<128x128xf32, #tpu.memory_space<vmem>>, vector<16xf32>,
        tpu.vector_store %arg18[%swap3A_300, %swap3A_301], %mul3A_299 {strides = array<i32>} : memref<128x128xf32, #tpu.memory_space<vmem>>, vector<16xf32>,
        %get3A_303 = arith.index_cast %scan3A_253 : i32 to index
        %get3A_304 = arith.constant 112 : index
        %get3A_305 = tpu.vector_load %arg18[%get3A_303, %get3A_304] {strides = array<i32>} : memref<128x128xf32, #tpu.memory_space<vmem>>, vector<16xf32>,
        %mul3A_306 = arith.mulf %get3A_305, %get3A_51 : vector<16xf32>
        %swap3A_307 = arith.index_cast %scan3A_253 : i32 to index
        %swap3A_308 = arith.constant 112 : index
        %swap3A_309 = tpu.vector_load %arg18[%swap3A_307, %swap3A_308] {strides = array<i32>} : memref<128x128xf32, #tpu.memory_space<vmem>>, vector<16xf32>,
        tpu.vector_store %arg18[%swap3A_307, %swap3A_308], %mul3A_306 {strides = array<i32>} : memref<128x128xf32, #tpu.memory_space<vmem>>, vector<16xf32>,
        %scan3A_310 = arith.constant 0 : i32
        scf.yield %scan3A_310 : i32
      }
      %scan3A_193 = arith.constant 64 : i32
      "tpu.region"() ({
        %run_scoped3A = tpu.sem_alloc : memref<!tpu.dma_semaphore, #tpu.memory_space<semaphore_mem>>
        %dma_start3A_194 = arith.constant 0 : i32
        %dma_start3A_195 = arith.constant 0 : i32
        %dma_start3A_196 = tpu.memref_slice %arg18[%dma_start3A_194, %dma_start3A_195] : memref<128x128xf32, #tpu.memory_space<vmem>> -> memref<64x128xf32, #tpu.memory_space<vmem>>
        %dma_start3A_197 = arith.constant 0 : i32
        %dma_start3A_198 = tpu.memref_slice %arg21[%mul3A_54, %dma_start3A_197] : memref<1000x128xf32, #tpu.memory_space<vmem_shared>> -> memref<64x128xf32, #tpu.memory_space<vmem_shared>>
        %dma_start3A_199 = arith.constant 0 : i32
        %dma_start3A_200 = tpu.memref_slice %arg21[%mul3A_54, %dma_start3A_199] : memref<1000x128xf32, #tpu.memory_space<vmem_shared>> -> memref<64x128xf32, #tpu.memory_space<vmem_shared>>
        %dma_start3A_201 = arith.constant 0 : i32
        %dma_start3A_202 = arith.constant 0 : i32
        %dma_start3A_203 = tpu.memref_slice %arg18[%dma_start3A_201, %dma_start3A_202] : memref<128x128xf32, #tpu.memory_space<vmem>> -> memref<64x128xf32, #tpu.memory_space<vmem>>
        tpu.enqueue_dma source(%dma_start3A_203 : memref<64x128xf32, #tpu.memory_space<vmem>>) target(%dma_start3A_200 : memref<64x128xf32, #tpu.memory_space<vmem_shared>>) target_semaphore(%run_scoped3A : memref<!tpu.dma_semaphore, #tpu.memory_space<semaphore_mem>>)
        %dma_wait3A_204 = arith.constant 0 : i32
        %dma_wait3A_205 = arith.constant 0 : i32
        %dma_wait3A_206 = tpu.memref_slice %arg18[%dma_wait3A_204, %dma_wait3A_205] : memref<128x128xf32, #tpu.memory_space<vmem>> -> memref<64x128xf32, #tpu.memory_space<vmem>>
        %dma_wait3A_207 = arith.constant 0 : i32
        %dma_wait3A_208 = tpu.memref_slice %arg21[%mul3A_54, %dma_wait3A_207] : memref<1000x128xf32, #tpu.memory_space<vmem_shared>> -> memref<64x128xf32, #tpu.memory_space<vmem_shared>>
        %dma_wait3A_209 = arith.constant 0 : i32
        %dma_wait3A_210 = tpu.memref_slice %arg21[%mul3A_54, %dma_wait3A_209] : memref<1000x128xf32, #tpu.memory_space<vmem_shared>> -> memref<64x128xf32, #tpu.memory_space<vmem_shared>>
        %dma_wait3A_211 = arith.constant 0 : i32
        %dma_wait3A_212 = arith.constant 0 : i32
        %dma_wait3A_213 = tpu.memref_slice %arg18[%dma_wait3A_211, %dma_wait3A_212] : memref<128x128xf32, #tpu.memory_space<vmem>> -> memref<64x128xf32, #tpu.memory_space<vmem>>
        tpu.wait_dma2 semaphore(%run_scoped3A : memref<!tpu.dma_semaphore, #tpu.memory_space<semaphore_mem>>) src(%dma_wait3A_213 : memref<64x128xf32, #tpu.memory_space<vmem>>) dst(%dma_wait3A_210 : memref<64x128xf32, #tpu.memory_space<vmem_shared>>)
        tpu.yield
      }) : () -> ()
    } else {
    }
    %eq3A = arith.constant 15 : i32
    %eq3A_57 = arith.cmpi eq, %arg1, %eq3A : i32
    %convert_element_type3A_58 = arith.extui %eq3A_57 : i1 to i32
    %cond3A_59 = arith.constant 0 : i32
    %cond3A_60 = arith.cmpi ne, %convert_element_type3A_58, %cond3A_59 : i32
    scf.if %cond3A_60 {
      "tpu.region"() ({
        %run_scoped3A = tpu.sem_alloc : memref<!tpu.dma_semaphore, #tpu.memory_space<semaphore_mem>>
        %dma_start3A_194 = arith.constant 0 : i32
        %dma_start3A_195 = arith.constant 0 : i32
        %dma_start3A_196 = tpu.memref_slice %arg18[%dma_start3A_194, %dma_start3A_195] : memref<128x128xf32, #tpu.memory_space<vmem>> -> memref<40x128xf32, #tpu.memory_space<vmem>>
        %dma_start3A_197 = arith.constant 960 : i32
        %dma_start3A_198 = arith.constant 0 : i32
        %dma_start3A_199 = tpu.memref_slice %arg6[%dma_start3A_197, %dma_start3A_198] : memref<1000x128xf32, #tpu.memory_space<hbm>> -> memref<40x128xf32, #tpu.memory_space<hbm>>
        %dma_start3A_200 = arith.constant 0 : i32
        %dma_start3A_201 = arith.constant 0 : i32
        %dma_start3A_202 = tpu.memref_slice %arg18[%dma_start3A_200, %dma_start3A_201] : memref<128x128xf32, #tpu.memory_space<vmem>> -> memref<40x128xf32, #tpu.memory_space<vmem>>
        %dma_start3A_203 = arith.constant 960 : i32
        %dma_start3A_204 = arith.constant 0 : i32
        %dma_start3A_205 = tpu.memref_slice %arg6[%dma_start3A_203, %dma_start3A_204] : memref<1000x128xf32, #tpu.memory_space<hbm>> -> memref<40x128xf32, #tpu.memory_space<hbm>>
        tpu.enqueue_dma source(%dma_start3A_205 : memref<40x128xf32, #tpu.memory_space<hbm>>) target(%dma_start3A_202 : memref<40x128xf32, #tpu.memory_space<vmem>>) target_semaphore(%run_scoped3A : memref<!tpu.dma_semaphore, #tpu.memory_space<semaphore_mem>>)
        %dma_wait3A_206 = arith.constant 0 : i32
        %dma_wait3A_207 = arith.constant 0 : i32
        %dma_wait3A_208 = tpu.memref_slice %arg18[%dma_wait3A_206, %dma_wait3A_207] : memref<128x128xf32, #tpu.memory_space<vmem>> -> memref<40x128xf32, #tpu.memory_space<vmem>>
        %dma_wait3A_209 = arith.constant 960 : i32
        %dma_wait3A_210 = arith.constant 0 : i32
        %dma_wait3A_211 = tpu.memref_slice %arg6[%dma_wait3A_209, %dma_wait3A_210] : memref<1000x128xf32, #tpu.memory_space<hbm>> -> memref<40x128xf32, #tpu.memory_space<hbm>>
        %dma_wait3A_212 = arith.constant 0 : i32
        %dma_wait3A_213 = arith.constant 0 : i32
        %dma_wait3A_214 = tpu.memref_slice %arg18[%dma_wait3A_212, %dma_wait3A_213] : memref<128x128xf32, #tpu.memory_space<vmem>> -> memref<40x128xf32, #tpu.memory_space<vmem>>
        %dma_wait3A_215 = arith.constant 960 : i32
        %dma_wait3A_216 = arith.constant 0 : i32
        %dma_wait3A_217 = tpu.memref_slice %arg6[%dma_wait3A_215, %dma_wait3A_216] : memref<1000x128xf32, #tpu.memory_space<hbm>> -> memref<40x128xf32, #tpu.memory_space<hbm>>
        tpu.wait_dma2 semaphore(%run_scoped3A : memref<!tpu.dma_semaphore, #tpu.memory_space<semaphore_mem>>) src(%dma_wait3A_217 : memref<40x128xf32, #tpu.memory_space<hbm>>) dst(%dma_wait3A_214 : memref<40x128xf32, #tpu.memory_space<vmem>>)
        tpu.yield
      }) : () -> ()
      %scan3A = arith.constant 0 : i32
      %scan3A_188 = arith.constant 0 : i32
      %scan3A_189 = arith.constant 40 : i32
      %scan3A_190 = arith.addi %scan3A_188, %scan3A_189 : i32
      %scan3A_191 = arith.constant 2 : i32
      %scan3A_192 = scf.for %scan3A_194 = %scan3A_188 to %scan3A_190 step %scan3A_191 iter_args(%scan3A_195 = %scan3A) -> (i32)  : i32 {
        %get3A_196 = arith.index_cast %scan3A_194 : i32 to index
        %get3A_197 = arith.constant 0 : index
        %get3A_198 = tpu.vector_load %arg18[%get3A_196, %get3A_197] {strides = array<i32>} : memref<128x128xf32, #tpu.memory_space<vmem>>, vector<16xf32>,
        %mul3A_199 = arith.mulf %get3A_198, %get3A_37 : vector<16xf32>
        %swap3A = arith.index_cast %scan3A_194 : i32 to index
        %swap3A_200 = arith.constant 0 : index
        %swap3A_201 = tpu.vector_load %arg18[%swap3A, %swap3A_200] {strides = array<i32>} : memref<128x128xf32, #tpu.memory_space<vmem>>, vector<16xf32>,
        tpu.vector_store %arg18[%swap3A, %swap3A_200], %mul3A_199 {strides = array<i32>} : memref<128x128xf32, #tpu.memory_space<vmem>>, vector<16xf32>,
        %get3A_202 = arith.index_cast %scan3A_194 : i32 to index
        %get3A_203 = arith.constant 16 : index
        %get3A_204 = tpu.vector_load %arg18[%get3A_202, %get3A_203] {strides = array<i32>} : memref<128x128xf32, #tpu.memory_space<vmem>>, vector<16xf32>,
        %mul3A_205 = arith.mulf %get3A_204, %get3A_39 : vector<16xf32>
        %swap3A_206 = arith.index_cast %scan3A_194 : i32 to index
        %swap3A_207 = arith.constant 16 : index
        %swap3A_208 = tpu.vector_load %arg18[%swap3A_206, %swap3A_207] {strides = array<i32>} : memref<128x128xf32, #tpu.memory_space<vmem>>, vector<16xf32>,
        tpu.vector_store %arg18[%swap3A_206, %swap3A_207], %mul3A_205 {strides = array<i32>} : memref<128x128xf32, #tpu.memory_space<vmem>>, vector<16xf32>,
        %get3A_209 = arith.index_cast %scan3A_194 : i32 to index
        %get3A_210 = arith.constant 32 : index
        %get3A_211 = tpu.vector_load %arg18[%get3A_209, %get3A_210] {strides = array<i32>} : memref<128x128xf32, #tpu.memory_space<vmem>>, vector<16xf32>,
        %mul3A_212 = arith.mulf %get3A_211, %get3A_41 : vector<16xf32>
        %swap3A_213 = arith.index_cast %scan3A_194 : i32 to index
        %swap3A_214 = arith.constant 32 : index
        %swap3A_215 = tpu.vector_load %arg18[%swap3A_213, %swap3A_214] {strides = array<i32>} : memref<128x128xf32, #tpu.memory_space<vmem>>, vector<16xf32>,
        tpu.vector_store %arg18[%swap3A_213, %swap3A_214], %mul3A_212 {strides = array<i32>} : memref<128x128xf32, #tpu.memory_space<vmem>>, vector<16xf32>,
        %get3A_216 = arith.index_cast %scan3A_194 : i32 to index
        %get3A_217 = arith.constant 48 : index
        %get3A_218 = tpu.vector_load %arg18[%get3A_216, %get3A_217] {strides = array<i32>} : memref<128x128xf32, #tpu.memory_space<vmem>>, vector<16xf32>,
        %mul3A_219 = arith.mulf %get3A_218, %get3A_43 : vector<16xf32>
        %swap3A_220 = arith.index_cast %scan3A_194 : i32 to index
        %swap3A_221 = arith.constant 48 : index
        %swap3A_222 = tpu.vector_load %arg18[%swap3A_220, %swap3A_221] {strides = array<i32>} : memref<128x128xf32, #tpu.memory_space<vmem>>, vector<16xf32>,
        tpu.vector_store %arg18[%swap3A_220, %swap3A_221], %mul3A_219 {strides = array<i32>} : memref<128x128xf32, #tpu.memory_space<vmem>>, vector<16xf32>,
        %get3A_223 = arith.index_cast %scan3A_194 : i32 to index
        %get3A_224 = arith.constant 64 : index
        %get3A_225 = tpu.vector_load %arg18[%get3A_223, %get3A_224] {strides = array<i32>} : memref<128x128xf32, #tpu.memory_space<vmem>>, vector<16xf32>,
        %mul3A_226 = arith.mulf %get3A_225, %get3A_45 : vector<16xf32>
        %swap3A_227 = arith.index_cast %scan3A_194 : i32 to index
        %swap3A_228 = arith.constant 64 : index
        %swap3A_229 = tpu.vector_load %arg18[%swap3A_227, %swap3A_228] {strides = array<i32>} : memref<128x128xf32, #tpu.memory_space<vmem>>, vector<16xf32>,
        tpu.vector_store %arg18[%swap3A_227, %swap3A_228], %mul3A_226 {strides = array<i32>} : memref<128x128xf32, #tpu.memory_space<vmem>>, vector<16xf32>,
        %get3A_230 = arith.index_cast %scan3A_194 : i32 to index
        %get3A_231 = arith.constant 80 : index
        %get3A_232 = tpu.vector_load %arg18[%get3A_230, %get3A_231] {strides = array<i32>} : memref<128x128xf32, #tpu.memory_space<vmem>>, vector<16xf32>,
        %mul3A_233 = arith.mulf %get3A_232, %get3A_47 : vector<16xf32>
        %swap3A_234 = arith.index_cast %scan3A_194 : i32 to index
        %swap3A_235 = arith.constant 80 : index
        %swap3A_236 = tpu.vector_load %arg18[%swap3A_234, %swap3A_235] {strides = array<i32>} : memref<128x128xf32, #tpu.memory_space<vmem>>, vector<16xf32>,
        tpu.vector_store %arg18[%swap3A_234, %swap3A_235], %mul3A_233 {strides = array<i32>} : memref<128x128xf32, #tpu.memory_space<vmem>>, vector<16xf32>,
        %get3A_237 = arith.index_cast %scan3A_194 : i32 to index
        %get3A_238 = arith.constant 96 : index
        %get3A_239 = tpu.vector_load %arg18[%get3A_237, %get3A_238] {strides = array<i32>} : memref<128x128xf32, #tpu.memory_space<vmem>>, vector<16xf32>,
        %mul3A_240 = arith.mulf %get3A_239, %get3A_49 : vector<16xf32>
        %swap3A_241 = arith.index_cast %scan3A_194 : i32 to index
        %swap3A_242 = arith.constant 96 : index
        %swap3A_243 = tpu.vector_load %arg18[%swap3A_241, %swap3A_242] {strides = array<i32>} : memref<128x128xf32, #tpu.memory_space<vmem>>, vector<16xf32>,
        tpu.vector_store %arg18[%swap3A_241, %swap3A_242], %mul3A_240 {strides = array<i32>} : memref<128x128xf32, #tpu.memory_space<vmem>>, vector<16xf32>,
        %get3A_244 = arith.index_cast %scan3A_194 : i32 to index
        %get3A_245 = arith.constant 112 : index
        %get3A_246 = tpu.vector_load %arg18[%get3A_244, %get3A_245] {strides = array<i32>} : memref<128x128xf32, #tpu.memory_space<vmem>>, vector<16xf32>,
        %mul3A_247 = arith.mulf %get3A_246, %get3A_51 : vector<16xf32>
        %swap3A_248 = arith.index_cast %scan3A_194 : i32 to index
        %swap3A_249 = arith.constant 112 : index
        %swap3A_250 = tpu.vector_load %arg18[%swap3A_248, %swap3A_249] {strides = array<i32>} : memref<128x128xf32, #tpu.memory_space<vmem>>, vector<16xf32>,
        tpu.vector_store %arg18[%swap3A_248, %swap3A_249], %mul3A_247 {strides = array<i32>} : memref<128x128xf32, #tpu.memory_space<vmem>>, vector<16xf32>,
        %scan3A_251 = arith.constant 0 : i32
        %scan3A_252 = arith.constant 1 : i32
        %scan3A_253 = arith.addi %scan3A_194, %scan3A_252 : i32
        %get3A_254 = arith.index_cast %scan3A_253 : i32 to index
        %get3A_255 = arith.constant 0 : index
        %get3A_256 = tpu.vector_load %arg18[%get3A_254, %get3A_255] {strides = array<i32>} : memref<128x128xf32, #tpu.memory_space<vmem>>, vector<16xf32>,
        %mul3A_257 = arith.mulf %get3A_256, %get3A_37 : vector<16xf32>
        %swap3A_258 = arith.index_cast %scan3A_253 : i32 to index
        %swap3A_259 = arith.constant 0 : index
        %swap3A_260 = tpu.vector_load %arg18[%swap3A_258, %swap3A_259] {strides = array<i32>} : memref<128x128xf32, #tpu.memory_space<vmem>>, vector<16xf32>,
        tpu.vector_store %arg18[%swap3A_258, %swap3A_259], %mul3A_257 {strides = array<i32>} : memref<128x128xf32, #tpu.memory_space<vmem>>, vector<16xf32>,
        %get3A_261 = arith.index_cast %scan3A_253 : i32 to index
        %get3A_262 = arith.constant 16 : index
        %get3A_263 = tpu.vector_load %arg18[%get3A_261, %get3A_262] {strides = array<i32>} : memref<128x128xf32, #tpu.memory_space<vmem>>, vector<16xf32>,
        %mul3A_264 = arith.mulf %get3A_263, %get3A_39 : vector<16xf32>
        %swap3A_265 = arith.index_cast %scan3A_253 : i32 to index
        %swap3A_266 = arith.constant 16 : index
        %swap3A_267 = tpu.vector_load %arg18[%swap3A_265, %swap3A_266] {strides = array<i32>} : memref<128x128xf32, #tpu.memory_space<vmem>>, vector<16xf32>,
        tpu.vector_store %arg18[%swap3A_265, %swap3A_266], %mul3A_264 {strides = array<i32>} : memref<128x128xf32, #tpu.memory_space<vmem>>, vector<16xf32>,
        %get3A_268 = arith.index_cast %scan3A_253 : i32 to index
        %get3A_269 = arith.constant 32 : index
        %get3A_270 = tpu.vector_load %arg18[%get3A_268, %get3A_269] {strides = array<i32>} : memref<128x128xf32, #tpu.memory_space<vmem>>, vector<16xf32>,
        %mul3A_271 = arith.mulf %get3A_270, %get3A_41 : vector<16xf32>
        %swap3A_272 = arith.index_cast %scan3A_253 : i32 to index
        %swap3A_273 = arith.constant 32 : index
        %swap3A_274 = tpu.vector_load %arg18[%swap3A_272, %swap3A_273] {strides = array<i32>} : memref<128x128xf32, #tpu.memory_space<vmem>>, vector<16xf32>,
        tpu.vector_store %arg18[%swap3A_272, %swap3A_273], %mul3A_271 {strides = array<i32>} : memref<128x128xf32, #tpu.memory_space<vmem>>, vector<16xf32>,
        %get3A_275 = arith.index_cast %scan3A_253 : i32 to index
        %get3A_276 = arith.constant 48 : index
        %get3A_277 = tpu.vector_load %arg18[%get3A_275, %get3A_276] {strides = array<i32>} : memref<128x128xf32, #tpu.memory_space<vmem>>, vector<16xf32>,
        %mul3A_278 = arith.mulf %get3A_277, %get3A_43 : vector<16xf32>
        %swap3A_279 = arith.index_cast %scan3A_253 : i32 to index
        %swap3A_280 = arith.constant 48 : index
        %swap3A_281 = tpu.vector_load %arg18[%swap3A_279, %swap3A_280] {strides = array<i32>} : memref<128x128xf32, #tpu.memory_space<vmem>>, vector<16xf32>,
        tpu.vector_store %arg18[%swap3A_279, %swap3A_280], %mul3A_278 {strides = array<i32>} : memref<128x128xf32, #tpu.memory_space<vmem>>, vector<16xf32>,
        %get3A_282 = arith.index_cast %scan3A_253 : i32 to index
        %get3A_283 = arith.constant 64 : index
        %get3A_284 = tpu.vector_load %arg18[%get3A_282, %get3A_283] {strides = array<i32>} : memref<128x128xf32, #tpu.memory_space<vmem>>, vector<16xf32>,
        %mul3A_285 = arith.mulf %get3A_284, %get3A_45 : vector<16xf32>
        %swap3A_286 = arith.index_cast %scan3A_253 : i32 to index
        %swap3A_287 = arith.constant 64 : index
        %swap3A_288 = tpu.vector_load %arg18[%swap3A_286, %swap3A_287] {strides = array<i32>} : memref<128x128xf32, #tpu.memory_space<vmem>>, vector<16xf32>,
        tpu.vector_store %arg18[%swap3A_286, %swap3A_287], %mul3A_285 {strides = array<i32>} : memref<128x128xf32, #tpu.memory_space<vmem>>, vector<16xf32>,
        %get3A_289 = arith.index_cast %scan3A_253 : i32 to index
        %get3A_290 = arith.constant 80 : index
        %get3A_291 = tpu.vector_load %arg18[%get3A_289, %get3A_290] {strides = array<i32>} : memref<128x128xf32, #tpu.memory_space<vmem>>, vector<16xf32>,
        %mul3A_292 = arith.mulf %get3A_291, %get3A_47 : vector<16xf32>
        %swap3A_293 = arith.index_cast %scan3A_253 : i32 to index
        %swap3A_294 = arith.constant 80 : index
        %swap3A_295 = tpu.vector_load %arg18[%swap3A_293, %swap3A_294] {strides = array<i32>} : memref<128x128xf32, #tpu.memory_space<vmem>>, vector<16xf32>,
        tpu.vector_store %arg18[%swap3A_293, %swap3A_294], %mul3A_292 {strides = array<i32>} : memref<128x128xf32, #tpu.memory_space<vmem>>, vector<16xf32>,
        %get3A_296 = arith.index_cast %scan3A_253 : i32 to index
        %get3A_297 = arith.constant 96 : index
        %get3A_298 = tpu.vector_load %arg18[%get3A_296, %get3A_297] {strides = array<i32>} : memref<128x128xf32, #tpu.memory_space<vmem>>, vector<16xf32>,
        %mul3A_299 = arith.mulf %get3A_298, %get3A_49 : vector<16xf32>
        %swap3A_300 = arith.index_cast %scan3A_253 : i32 to index
        %swap3A_301 = arith.constant 96 : index
        %swap3A_302 = tpu.vector_load %arg18[%swap3A_300, %swap3A_301] {strides = array<i32>} : memref<128x128xf32, #tpu.memory_space<vmem>>, vector<16xf32>,
        tpu.vector_store %arg18[%swap3A_300, %swap3A_301], %mul3A_299 {strides = array<i32>} : memref<128x128xf32, #tpu.memory_space<vmem>>, vector<16xf32>,
        %get3A_303 = arith.index_cast %scan3A_253 : i32 to index
        %get3A_304 = arith.constant 112 : index
        %get3A_305 = tpu.vector_load %arg18[%get3A_303, %get3A_304] {strides = array<i32>} : memref<128x128xf32, #tpu.memory_space<vmem>>, vector<16xf32>,
        %mul3A_306 = arith.mulf %get3A_305, %get3A_51 : vector<16xf32>
        %swap3A_307 = arith.index_cast %scan3A_253 : i32 to index
        %swap3A_308 = arith.constant 112 : index
        %swap3A_309 = tpu.vector_load %arg18[%swap3A_307, %swap3A_308] {strides = array<i32>} : memref<128x128xf32, #tpu.memory_space<vmem>>, vector<16xf32>,
        tpu.vector_store %arg18[%swap3A_307, %swap3A_308], %mul3A_306 {strides = array<i32>} : memref<128x128xf32, #tpu.memory_space<vmem>>, vector<16xf32>,
        %scan3A_310 = arith.constant 0 : i32
        scf.yield %scan3A_310 : i32
      }
      %scan3A_193 = arith.constant 40 : i32
      "tpu.region"() ({
        %run_scoped3A = tpu.sem_alloc : memref<!tpu.dma_semaphore, #tpu.memory_space<semaphore_mem>>
        %dma_start3A_194 = arith.constant 0 : i32
        %dma_start3A_195 = arith.constant 0 : i32
        %dma_start3A_196 = tpu.memref_slice %arg18[%dma_start3A_194, %dma_start3A_195] : memref<128x128xf32, #tpu.memory_space<vmem>> -> memref<40x128xf32, #tpu.memory_space<vmem>>
        %dma_start3A_197 = arith.constant 960 : i32
        %dma_start3A_198 = arith.constant 0 : i32
        %dma_start3A_199 = tpu.memref_slice %arg21[%dma_start3A_197, %dma_start3A_198] : memref<1000x128xf32, #tpu.memory_space<vmem_shared>> -> memref<40x128xf32, #tpu.memory_space<vmem_shared>>
        %dma_start3A_200 = arith.constant 960 : i32
        %dma_start3A_201 = arith.constant 0 : i32
        %dma_start3A_202 = tpu.memref_slice %arg21[%dma_start3A_200, %dma_start3A_201] : memref<1000x128xf32, #tpu.memory_space<vmem_shared>> -> memref<40x128xf32, #tpu.memory_space<vmem_shared>>
        %dma_start3A_203 = arith.constant 0 : i32
        %dma_start3A_204 = arith.constant 0 : i32
        %dma_start3A_205 = tpu.memref_slice %arg18[%dma_start3A_203, %dma_start3A_204] : memref<128x128xf32, #tpu.memory_space<vmem>> -> memref<40x128xf32, #tpu.memory_space<vmem>>
        tpu.enqueue_dma source(%dma_start3A_205 : memref<40x128xf32, #tpu.memory_space<vmem>>) target(%dma_start3A_202 : memref<40x128xf32, #tpu.memory_space<vmem_shared>>) target_semaphore(%run_scoped3A : memref<!tpu.dma_semaphore, #tpu.memory_space<semaphore_mem>>)
        %dma_wait3A_206 = arith.constant 0 : i32
        %dma_wait3A_207 = arith.constant 0 : i32
        %dma_wait3A_208 = tpu.memref_slice %arg18[%dma_wait3A_206, %dma_wait3A_207] : memref<128x128xf32, #tpu.memory_space<vmem>> -> memref<40x128xf32, #tpu.memory_space<vmem>>
        %dma_wait3A_209 = arith.constant 960 : i32
        %dma_wait3A_210 = arith.constant 0 : i32
        %dma_wait3A_211 = tpu.memref_slice %arg21[%dma_wait3A_209, %dma_wait3A_210] : memref<1000x128xf32, #tpu.memory_space<vmem_shared>> -> memref<40x128xf32, #tpu.memory_space<vmem_shared>>
        %dma_wait3A_212 = arith.constant 960 : i32
        %dma_wait3A_213 = arith.constant 0 : i32
        %dma_wait3A_214 = tpu.memref_slice %arg21[%dma_wait3A_212, %dma_wait3A_213] : memref<1000x128xf32, #tpu.memory_space<vmem_shared>> -> memref<40x128xf32, #tpu.memory_space<vmem_shared>>
        %dma_wait3A_215 = arith.constant 0 : i32
        %dma_wait3A_216 = arith.constant 0 : i32
        %dma_wait3A_217 = tpu.memref_slice %arg18[%dma_wait3A_215, %dma_wait3A_216] : memref<128x128xf32, #tpu.memory_space<vmem>> -> memref<40x128xf32, #tpu.memory_space<vmem>>
        tpu.wait_dma2 semaphore(%run_scoped3A : memref<!tpu.dma_semaphore, #tpu.memory_space<semaphore_mem>>) src(%dma_wait3A_217 : memref<40x128xf32, #tpu.memory_space<vmem>>) dst(%dma_wait3A_214 : memref<40x128xf32, #tpu.memory_space<vmem_shared>>)
        tpu.yield
      }) : () -> ()
    } else {
    }
    %barrier3A = arith.constant 0 : index
    tpu.barrier barrier_id(%barrier3A)
    %dma_wait3A_61 = tpu.memref_slice %arg3[%mul3A_2] : memref<16384xi32, #tpu.memory_space<hbm>> -> memref<512xi32, #tpu.memory_space<hbm>>
    %dma_wait3A_62 = tpu.memref_slice %arg3[%mul3A_2] : memref<16384xi32, #tpu.memory_space<hbm>> -> memref<512xi32, #tpu.memory_space<hbm>>
    tpu.wait_dma2 semaphore(%arg27 : memref<!tpu.dma_semaphore, #tpu.memory_space<semaphore_mem>>) src(%dma_wait3A_62 : memref<512xi32, #tpu.memory_space<hbm>>) dst(%arg12 : memref<512xi32, #tpu.memory_space<vmem>>)
    %dma_start3A_63 = arith.constant 0 : i32
    %dma_start3A_64 = tpu.memref_slice %arg12[%dma_start3A_63] : memref<512xi32, #tpu.memory_space<vmem>> -> memref<128xi32, #tpu.memory_space<vmem>>
    %dma_start3A_65 = arith.constant 0 : i32
    %dma_start3A_66 = arith.constant 0 : i32
    %dma_start3A_67 = tpu.memref_slice %arg21[%dma_start3A_65, %dma_start3A_66] : memref<1000x128xf32, #tpu.memory_space<vmem_shared>> -> memref<1000x128xf32, #tpu.memory_space<vmem_shared>>
    tpu.enqueue_indirect_dma source(%dma_start3A_67 : memref<1000x128xf32, #tpu.memory_space<vmem_shared>>) target(%arg17 : memref<128x128xf32, #tpu.memory_space<vmem>>) offsets(%dma_start3A_64 : memref<128xi32, #tpu.memory_space<vmem>>) semaphore(%arg26 : memref<!tpu.dma_semaphore, #tpu.memory_space<semaphore_mem>>)
    %iota3A = tpu.iota {dimensions = array<i32: 0>} : vector<16xi32>
    %broadcast_in_dim3A_68 = arith.constant 0.000000e+00 : f32
    %broadcast_in_dim3A_69 = vector.broadcast %broadcast_in_dim3A_68 : f32 to vector<16xf32>
    %broadcast_in_dim3A_70 = arith.constant 15 : i32
    %broadcast_in_dim3A_71 = vector.broadcast %broadcast_in_dim3A_70 : i32 to vector<16xi32>
    %dma_wait3A_72 = arith.constant 0 : i32
    %dma_wait3A_73 = tpu.memref_slice %arg10[%dma_wait3A_72] : memref<512xi32, #tpu.memory_space<vmem>> -> memref<128xi32, #tpu.memory_space<vmem>>
    %dma_wait3A_74 = arith.constant 0 : i32
    %dma_wait3A_75 = arith.constant 0 : i32
    %dma_wait3A_76 = tpu.memref_slice %arg5[%dma_wait3A_74, %dma_wait3A_75] : memref<100000x128xf32, #tpu.memory_space<hbm>> -> memref<100000x128xf32, #tpu.memory_space<hbm>>
    tpu.wait_indirect_dma semaphore(%arg22 : memref<!tpu.dma_semaphore, #tpu.memory_space<semaphore_mem>>) src(%dma_wait3A_76 : memref<100000x128xf32, #tpu.memory_space<hbm>>) dst(%arg13 : memref<128x128xf32, #tpu.memory_space<vmem>>)
    %dma_wait3A_77 = arith.constant 0 : i32
    %dma_wait3A_78 = tpu.memref_slice %arg11[%dma_wait3A_77] : memref<512xi32, #tpu.memory_space<vmem>> -> memref<128xi32, #tpu.memory_space<vmem>>
    %dma_wait3A_79 = arith.constant 0 : i32
    %dma_wait3A_80 = arith.constant 0 : i32
    %dma_wait3A_81 = tpu.memref_slice %arg5[%dma_wait3A_79, %dma_wait3A_80] : memref<100000x128xf32, #tpu.memory_space<hbm>> -> memref<100000x128xf32, #tpu.memory_space<hbm>>
    tpu.wait_indirect_dma semaphore(%arg24 : memref<!tpu.dma_semaphore, #tpu.memory_space<semaphore_mem>>) src(%dma_wait3A_81 : memref<100000x128xf32, #tpu.memory_space<hbm>>) dst(%arg15 : memref<128x128xf32, #tpu.memory_space<vmem>>)
    %dma_wait3A_82 = arith.constant 0 : i32
    %dma_wait3A_83 = tpu.memref_slice %arg12[%dma_wait3A_82] : memref<512xi32, #tpu.memory_space<vmem>> -> memref<128xi32, #tpu.memory_space<vmem>>
    %dma_wait3A_84 = arith.constant 0 : i32
    %dma_wait3A_85 = arith.constant 0 : i32
    %dma_wait3A_86 = tpu.memref_slice %arg21[%dma_wait3A_84, %dma_wait3A_85] : memref<1000x128xf32, #tpu.memory_space<vmem_shared>> -> memref<1000x128xf32, #tpu.memory_space<vmem_shared>>
    tpu.wait_indirect_dma semaphore(%arg26 : memref<!tpu.dma_semaphore, #tpu.memory_space<semaphore_mem>>) src(%dma_wait3A_86 : memref<1000x128xf32, #tpu.memory_space<vmem_shared>>) dst(%arg17 : memref<128x128xf32, #tpu.memory_space<vmem>>)
    %dma_start3A_87 = arith.constant 128 : i32
    %dma_start3A_88 = tpu.memref_slice %arg10[%dma_start3A_87] : memref<512xi32, #tpu.memory_space<vmem>> -> memref<128xi32, #tpu.memory_space<vmem>>
    %dma_start3A_89 = arith.constant 0 : i32
    %dma_start3A_90 = arith.constant 0 : i32
    %dma_start3A_91 = tpu.memref_slice %arg5[%dma_start3A_89, %dma_start3A_90] : memref<100000x128xf32, #tpu.memory_space<hbm>> -> memref<100000x128xf32, #tpu.memory_space<hbm>>
    tpu.enqueue_indirect_dma source(%dma_start3A_91 : memref<100000x128xf32, #tpu.memory_space<hbm>>) target(%arg14 : memref<128x128xf32, #tpu.memory_space<vmem>>) offsets(%dma_start3A_88 : memref<128xi32, #tpu.memory_space<vmem>>) semaphore(%arg23 : memref<!tpu.dma_semaphore, #tpu.memory_space<semaphore_mem>>)
    %dma_start3A_92 = arith.constant 128 : i32
    %dma_start3A_93 = tpu.memref_slice %arg11[%dma_start3A_92] : memref<512xi32, #tpu.memory_space<vmem>> -> memref<128xi32, #tpu.memory_space<vmem>>
    %dma_start3A_94 = arith.constant 0 : i32
    %dma_start3A_95 = arith.constant 0 : i32
    %dma_start3A_96 = tpu.memref_slice %arg5[%dma_start3A_94, %dma_start3A_95] : memref<100000x128xf32, #tpu.memory_space<hbm>> -> memref<100000x128xf32, #tpu.memory_space<hbm>>
    tpu.enqueue_indirect_dma source(%dma_start3A_96 : memref<100000x128xf32, #tpu.memory_space<hbm>>) target(%arg16 : memref<128x128xf32, #tpu.memory_space<vmem>>) offsets(%dma_start3A_93 : memref<128xi32, #tpu.memory_space<vmem>>) semaphore(%arg25 : memref<!tpu.dma_semaphore, #tpu.memory_space<semaphore_mem>>)
    %dma_start3A_97 = arith.constant 128 : i32
    %dma_start3A_98 = tpu.memref_slice %arg12[%dma_start3A_97] : memref<512xi32, #tpu.memory_space<vmem>> -> memref<128xi32, #tpu.memory_space<vmem>>
    %dma_start3A_99 = arith.constant 0 : i32
    %dma_start3A_100 = arith.constant 0 : i32
    %dma_start3A_101 = tpu.memref_slice %arg21[%dma_start3A_99, %dma_start3A_100] : memref<1000x128xf32, #tpu.memory_space<vmem_shared>> -> memref<1000x128xf32, #tpu.memory_space<vmem_shared>>
    tpu.enqueue_indirect_dma source(%dma_start3A_101 : memref<1000x128xf32, #tpu.memory_space<vmem_shared>>) target(%arg18 : memref<128x128xf32, #tpu.memory_space<vmem>>) offsets(%dma_start3A_98 : memref<128xi32, #tpu.memory_space<vmem>>) semaphore(%arg27 : memref<!tpu.dma_semaphore, #tpu.memory_space<semaphore_mem>>)
    %parallel_loop3A = arith.constant 0 : i32
    %parallel_loop3A_102 = arith.constant 8 : i32
    %parallel_loop3A_103 = arith.constant 1 : i32
    scf.for %parallel_loop3A_188 = %parallel_loop3A to %parallel_loop3A_102 step %parallel_loop3A_103  : i32 {
      %parallel_loop3A_189 = arith.constant 0 : i32
      %parallel_loop3A_190 = arith.constant 16 : i32
      %parallel_loop3A_191 = arith.constant 1 : i32
      %parallel_loop3A_192 = scf.for %parallel_loop3A_201 = %parallel_loop3A_189 to %parallel_loop3A_190 step %parallel_loop3A_191 iter_args(%parallel_loop3A_202 = %broadcast_in_dim3A_69) -> (vector<16xf32>)  : i32 {
        %parallel_loop3A_203 = arith.constant 16 : i32
        %parallel_loop3A_204 = arith.muli %parallel_loop3A_188, %parallel_loop3A_203 : i32
        %parallel_loop3A_205 = arith.addi %parallel_loop3A_204, %parallel_loop3A_201 : i32
        %parallel_loop3A_206 = arith.index_cast %parallel_loop3A_205 : i32 to index
        %parallel_loop3A_207 = arith.constant 0 : index
        %parallel_loop3A_208 = tpu.vector_load %arg13[%parallel_loop3A_206, %parallel_loop3A_207] {strides = array<i32>} : memref<128x128xf32, #tpu.memory_space<vmem>>, vector<16xf32>,
        %parallel_loop3A_209 = arith.index_cast %parallel_loop3A_205 : i32 to index
        %parallel_loop3A_210 = arith.constant 0 : index
        %parallel_loop3A_211 = tpu.vector_load %arg15[%parallel_loop3A_209, %parallel_loop3A_210] {strides = array<i32>} : memref<128x128xf32, #tpu.memory_space<vmem>>, vector<16xf32>,
        %parallel_loop3A_212 = arith.mulf %parallel_loop3A_208, %parallel_loop3A_211 : vector<16xf32>
        %parallel_loop3A_213 = arith.index_cast %parallel_loop3A_205 : i32 to index
        %parallel_loop3A_214 = arith.constant 0 : index
        %parallel_loop3A_215 = tpu.vector_load %arg17[%parallel_loop3A_213, %parallel_loop3A_214] {strides = array<i32>} : memref<128x128xf32, #tpu.memory_space<vmem>>, vector<16xf32>,
        %parallel_loop3A_216 = arith.mulf %parallel_loop3A_212, %parallel_loop3A_215 : vector<16xf32>
        %parallel_loop3A_217 = arith.index_cast %parallel_loop3A_205 : i32 to index
        %parallel_loop3A_218 = arith.constant 16 : index
        %parallel_loop3A_219 = tpu.vector_load %arg13[%parallel_loop3A_217, %parallel_loop3A_218] {strides = array<i32>} : memref<128x128xf32, #tpu.memory_space<vmem>>, vector<16xf32>,
        %parallel_loop3A_220 = arith.index_cast %parallel_loop3A_205 : i32 to index
        %parallel_loop3A_221 = arith.constant 16 : index
        %parallel_loop3A_222 = tpu.vector_load %arg15[%parallel_loop3A_220, %parallel_loop3A_221] {strides = array<i32>} : memref<128x128xf32, #tpu.memory_space<vmem>>, vector<16xf32>,
        %parallel_loop3A_223 = arith.mulf %parallel_loop3A_219, %parallel_loop3A_222 : vector<16xf32>
        %parallel_loop3A_224 = arith.index_cast %parallel_loop3A_205 : i32 to index
        %parallel_loop3A_225 = arith.constant 16 : index
        %parallel_loop3A_226 = tpu.vector_load %arg17[%parallel_loop3A_224, %parallel_loop3A_225] {strides = array<i32>} : memref<128x128xf32, #tpu.memory_space<vmem>>, vector<16xf32>,
        %parallel_loop3A_227 = arith.mulf %parallel_loop3A_223, %parallel_loop3A_226 : vector<16xf32>
        %parallel_loop3A_228 = arith.addf %parallel_loop3A_216, %parallel_loop3A_227 : vector<16xf32>
        %parallel_loop3A_229 = arith.index_cast %parallel_loop3A_205 : i32 to index
        %parallel_loop3A_230 = arith.constant 32 : index
        %parallel_loop3A_231 = tpu.vector_load %arg13[%parallel_loop3A_229, %parallel_loop3A_230] {strides = array<i32>} : memref<128x128xf32, #tpu.memory_space<vmem>>, vector<16xf32>,
        %parallel_loop3A_232 = arith.index_cast %parallel_loop3A_205 : i32 to index
        %parallel_loop3A_233 = arith.constant 32 : index
        %parallel_loop3A_234 = tpu.vector_load %arg15[%parallel_loop3A_232, %parallel_loop3A_233] {strides = array<i32>} : memref<128x128xf32, #tpu.memory_space<vmem>>, vector<16xf32>,
        %parallel_loop3A_235 = arith.mulf %parallel_loop3A_231, %parallel_loop3A_234 : vector<16xf32>
        %parallel_loop3A_236 = arith.index_cast %parallel_loop3A_205 : i32 to index
        %parallel_loop3A_237 = arith.constant 32 : index
        %parallel_loop3A_238 = tpu.vector_load %arg17[%parallel_loop3A_236, %parallel_loop3A_237] {strides = array<i32>} : memref<128x128xf32, #tpu.memory_space<vmem>>, vector<16xf32>,
        %parallel_loop3A_239 = arith.mulf %parallel_loop3A_235, %parallel_loop3A_238 : vector<16xf32>
        %parallel_loop3A_240 = arith.addf %parallel_loop3A_228, %parallel_loop3A_239 : vector<16xf32>
        %parallel_loop3A_241 = arith.index_cast %parallel_loop3A_205 : i32 to index
        %parallel_loop3A_242 = arith.constant 48 : index
        %parallel_loop3A_243 = tpu.vector_load %arg13[%parallel_loop3A_241, %parallel_loop3A_242] {strides = array<i32>} : memref<128x128xf32, #tpu.memory_space<vmem>>, vector<16xf32>,
        %parallel_loop3A_244 = arith.index_cast %parallel_loop3A_205 : i32 to index
        %parallel_loop3A_245 = arith.constant 48 : index
        %parallel_loop3A_246 = tpu.vector_load %arg15[%parallel_loop3A_244, %parallel_loop3A_245] {strides = array<i32>} : memref<128x128xf32, #tpu.memory_space<vmem>>, vector<16xf32>,
        %parallel_loop3A_247 = arith.mulf %parallel_loop3A_243, %parallel_loop3A_246 : vector<16xf32>
        %parallel_loop3A_248 = arith.index_cast %parallel_loop3A_205 : i32 to index
        %parallel_loop3A_249 = arith.constant 48 : index
        %parallel_loop3A_250 = tpu.vector_load %arg17[%parallel_loop3A_248, %parallel_loop3A_249] {strides = array<i32>} : memref<128x128xf32, #tpu.memory_space<vmem>>, vector<16xf32>,
        %parallel_loop3A_251 = arith.mulf %parallel_loop3A_247, %parallel_loop3A_250 : vector<16xf32>
        %parallel_loop3A_252 = arith.addf %parallel_loop3A_240, %parallel_loop3A_251 : vector<16xf32>
        %parallel_loop3A_253 = arith.index_cast %parallel_loop3A_205 : i32 to index
        %parallel_loop3A_254 = arith.constant 64 : index
        %parallel_loop3A_255 = tpu.vector_load %arg13[%parallel_loop3A_253, %parallel_loop3A_254] {strides = array<i32>} : memref<128x128xf32, #tpu.memory_space<vmem>>, vector<16xf32>,
        %parallel_loop3A_256 = arith.index_cast %parallel_loop3A_205 : i32 to index
        %parallel_loop3A_257 = arith.constant 64 : index
        %parallel_loop3A_258 = tpu.vector_load %arg15[%parallel_loop3A_256, %parallel_loop3A_257] {strides = array<i32>} : memref<128x128xf32, #tpu.memory_space<vmem>>, vector<16xf32>,
        %parallel_loop3A_259 = arith.mulf %parallel_loop3A_255, %parallel_loop3A_258 : vector<16xf32>
        %parallel_loop3A_260 = arith.index_cast %parallel_loop3A_205 : i32 to index
        %parallel_loop3A_261 = arith.constant 64 : index
        %parallel_loop3A_262 = tpu.vector_load %arg17[%parallel_loop3A_260, %parallel_loop3A_261] {strides = array<i32>} : memref<128x128xf32, #tpu.memory_space<vmem>>, vector<16xf32>,
        %parallel_loop3A_263 = arith.mulf %parallel_loop3A_259, %parallel_loop3A_262 : vector<16xf32>
        %parallel_loop3A_264 = arith.addf %parallel_loop3A_252, %parallel_loop3A_263 : vector<16xf32>
        %parallel_loop3A_265 = arith.index_cast %parallel_loop3A_205 : i32 to index
        %parallel_loop3A_266 = arith.constant 80 : index
        %parallel_loop3A_267 = tpu.vector_load %arg13[%parallel_loop3A_265, %parallel_loop3A_266] {strides = array<i32>} : memref<128x128xf32, #tpu.memory_space<vmem>>, vector<16xf32>,
        %parallel_loop3A_268 = arith.index_cast %parallel_loop3A_205 : i32 to index
        %parallel_loop3A_269 = arith.constant 80 : index
        %parallel_loop3A_270 = tpu.vector_load %arg15[%parallel_loop3A_268, %parallel_loop3A_269] {strides = array<i32>} : memref<128x128xf32, #tpu.memory_space<vmem>>, vector<16xf32>,
        %parallel_loop3A_271 = arith.mulf %parallel_loop3A_267, %parallel_loop3A_270 : vector<16xf32>
        %parallel_loop3A_272 = arith.index_cast %parallel_loop3A_205 : i32 to index
        %parallel_loop3A_273 = arith.constant 80 : index
        %parallel_loop3A_274 = tpu.vector_load %arg17[%parallel_loop3A_272, %parallel_loop3A_273] {strides = array<i32>} : memref<128x128xf32, #tpu.memory_space<vmem>>, vector<16xf32>,
        %parallel_loop3A_275 = arith.mulf %parallel_loop3A_271, %parallel_loop3A_274 : vector<16xf32>
        %parallel_loop3A_276 = arith.addf %parallel_loop3A_264, %parallel_loop3A_275 : vector<16xf32>
        %parallel_loop3A_277 = arith.index_cast %parallel_loop3A_205 : i32 to index
        %parallel_loop3A_278 = arith.constant 96 : index
        %parallel_loop3A_279 = tpu.vector_load %arg13[%parallel_loop3A_277, %parallel_loop3A_278] {strides = array<i32>} : memref<128x128xf32, #tpu.memory_space<vmem>>, vector<16xf32>,
        %parallel_loop3A_280 = arith.index_cast %parallel_loop3A_205 : i32 to index
        %parallel_loop3A_281 = arith.constant 96 : index
        %parallel_loop3A_282 = tpu.vector_load %arg15[%parallel_loop3A_280, %parallel_loop3A_281] {strides = array<i32>} : memref<128x128xf32, #tpu.memory_space<vmem>>, vector<16xf32>,
        %parallel_loop3A_283 = arith.mulf %parallel_loop3A_279, %parallel_loop3A_282 : vector<16xf32>
        %parallel_loop3A_284 = arith.index_cast %parallel_loop3A_205 : i32 to index
        %parallel_loop3A_285 = arith.constant 96 : index
        %parallel_loop3A_286 = tpu.vector_load %arg17[%parallel_loop3A_284, %parallel_loop3A_285] {strides = array<i32>} : memref<128x128xf32, #tpu.memory_space<vmem>>, vector<16xf32>,
        %parallel_loop3A_287 = arith.mulf %parallel_loop3A_283, %parallel_loop3A_286 : vector<16xf32>
        %parallel_loop3A_288 = arith.addf %parallel_loop3A_276, %parallel_loop3A_287 : vector<16xf32>
        %parallel_loop3A_289 = arith.index_cast %parallel_loop3A_205 : i32 to index
        %parallel_loop3A_290 = arith.constant 112 : index
        %parallel_loop3A_291 = tpu.vector_load %arg13[%parallel_loop3A_289, %parallel_loop3A_290] {strides = array<i32>} : memref<128x128xf32, #tpu.memory_space<vmem>>, vector<16xf32>,
        %parallel_loop3A_292 = arith.index_cast %parallel_loop3A_205 : i32 to index
        %parallel_loop3A_293 = arith.constant 112 : index
        %parallel_loop3A_294 = tpu.vector_load %arg15[%parallel_loop3A_292, %parallel_loop3A_293] {strides = array<i32>} : memref<128x128xf32, #tpu.memory_space<vmem>>, vector<16xf32>,
        %parallel_loop3A_295 = arith.mulf %parallel_loop3A_291, %parallel_loop3A_294 : vector<16xf32>
        %parallel_loop3A_296 = arith.index_cast %parallel_loop3A_205 : i32 to index
        %parallel_loop3A_297 = arith.constant 112 : index
        %parallel_loop3A_298 = tpu.vector_load %arg17[%parallel_loop3A_296, %parallel_loop3A_297] {strides = array<i32>} : memref<128x128xf32, #tpu.memory_space<vmem>>, vector<16xf32>,
        %parallel_loop3A_299 = arith.mulf %parallel_loop3A_295, %parallel_loop3A_298 : vector<16xf32>
        %parallel_loop3A_300 = arith.addf %parallel_loop3A_288, %parallel_loop3A_299 : vector<16xf32>
        %parallel_loop3A_301 = arith.constant true
        %parallel_loop3A_302 = vector.broadcast %parallel_loop3A_301 : i1 to vector<16xi1>
        %parallel_loop3A_303 = tpu.scan <sum>, %parallel_loop3A_300 masked %parallel_loop3A_302 : vector<16xf32>, vector<16xi1> -> vector<16xf32>
        %parallel_loop3A_304 = vector.shape_cast %broadcast_in_dim3A_71 : vector<16xi32> to vector<16x1xi32>
        %parallel_loop3A_305 = vector.shape_cast %parallel_loop3A_304 : vector<16x1xi32> to vector<16xi32>
        %parallel_loop3A_306 = tpu.dynamic_gather %parallel_loop3A_303[%parallel_loop3A_305] in [0] : vector<16xf32>, vector<16xi32> -> vector<16xf32>
        %parallel_loop3A_307 = vector.broadcast %parallel_loop3A_201 : i32 to vector<16xi32>
        %parallel_loop3A_308 = arith.cmpi eq, %iota3A, %parallel_loop3A_307 : vector<16xi32>
        %parallel_loop3A_309 = arith.select %parallel_loop3A_308, %parallel_loop3A_306, %parallel_loop3A_202 : vector<16xi1>, vector<16xf32>
        scf.yield %parallel_loop3A_309 : vector<16xf32>
      } {sc.loop_unroll_factor = 1 : i64, sc.parallel_access}
      %parallel_loop3A_193 = arith.constant 16 : i32
      %parallel_loop3A_194 = arith.muli %parallel_loop3A_188, %parallel_loop3A_193 : i32
      %parallel_loop3A_195 = arith.constant 0 : i32
      %parallel_loop3A_196 = arith.addi %parallel_loop3A_195, %parallel_loop3A_194 : i32
      %parallel_loop3A_197 = tpu.assume_multiple %parallel_loop3A_196, 16 : i32
      %parallel_loop3A_198 = arith.addf %parallel_loop3A_192, %gather3A : vector<16xf32>
      %parallel_loop3A_199 = arith.index_cast %parallel_loop3A_197 : i32 to index
      %parallel_loop3A_200 = tpu.vector_load %arg20[%parallel_loop3A_199] {strides = array<i32>} : memref<512xf32, #tpu.memory_space<vmem>>, vector<16xf32>,
      tpu.vector_store %arg20[%parallel_loop3A_199], %parallel_loop3A_198 {strides = array<i32>} : memref<512xf32, #tpu.memory_space<vmem>>, vector<16xf32>,
    } {sc.loop_unroll_factor = 1 : i64, sc.parallel_access}
    %dma_wait3A_104 = arith.constant 128 : i32
    %dma_wait3A_105 = tpu.memref_slice %arg10[%dma_wait3A_104] : memref<512xi32, #tpu.memory_space<vmem>> -> memref<128xi32, #tpu.memory_space<vmem>>
    %dma_wait3A_106 = arith.constant 0 : i32
    %dma_wait3A_107 = arith.constant 0 : i32
    %dma_wait3A_108 = tpu.memref_slice %arg5[%dma_wait3A_106, %dma_wait3A_107] : memref<100000x128xf32, #tpu.memory_space<hbm>> -> memref<100000x128xf32, #tpu.memory_space<hbm>>
    tpu.wait_indirect_dma semaphore(%arg23 : memref<!tpu.dma_semaphore, #tpu.memory_space<semaphore_mem>>) src(%dma_wait3A_108 : memref<100000x128xf32, #tpu.memory_space<hbm>>) dst(%arg14 : memref<128x128xf32, #tpu.memory_space<vmem>>)
    %dma_wait3A_109 = arith.constant 128 : i32
    %dma_wait3A_110 = tpu.memref_slice %arg11[%dma_wait3A_109] : memref<512xi32, #tpu.memory_space<vmem>> -> memref<128xi32, #tpu.memory_space<vmem>>
    %dma_wait3A_111 = arith.constant 0 : i32
    %dma_wait3A_112 = arith.constant 0 : i32
    %dma_wait3A_113 = tpu.memref_slice %arg5[%dma_wait3A_111, %dma_wait3A_112] : memref<100000x128xf32, #tpu.memory_space<hbm>> -> memref<100000x128xf32, #tpu.memory_space<hbm>>
    tpu.wait_indirect_dma semaphore(%arg25 : memref<!tpu.dma_semaphore, #tpu.memory_space<semaphore_mem>>) src(%dma_wait3A_113 : memref<100000x128xf32, #tpu.memory_space<hbm>>) dst(%arg16 : memref<128x128xf32, #tpu.memory_space<vmem>>)
    %dma_wait3A_114 = arith.constant 128 : i32
    %dma_wait3A_115 = tpu.memref_slice %arg12[%dma_wait3A_114] : memref<512xi32, #tpu.memory_space<vmem>> -> memref<128xi32, #tpu.memory_space<vmem>>
    %dma_wait3A_116 = arith.constant 0 : i32
    %dma_wait3A_117 = arith.constant 0 : i32
    %dma_wait3A_118 = tpu.memref_slice %arg21[%dma_wait3A_116, %dma_wait3A_117] : memref<1000x128xf32, #tpu.memory_space<vmem_shared>> -> memref<1000x128xf32, #tpu.memory_space<vmem_shared>>
    tpu.wait_indirect_dma semaphore(%arg27 : memref<!tpu.dma_semaphore, #tpu.memory_space<semaphore_mem>>) src(%dma_wait3A_118 : memref<1000x128xf32, #tpu.memory_space<vmem_shared>>) dst(%arg18 : memref<128x128xf32, #tpu.memory_space<vmem>>)
    %dma_start3A_119 = arith.constant 256 : i32
    %dma_start3A_120 = tpu.memref_slice %arg10[%dma_start3A_119] : memref<512xi32, #tpu.memory_space<vmem>> -> memref<128xi32, #tpu.memory_space<vmem>>
    %dma_start3A_121 = arith.constant 0 : i32
    %dma_start3A_122 = arith.constant 0 : i32
    %dma_start3A_123 = tpu.memref_slice %arg5[%dma_start3A_121, %dma_start3A_122] : memref<100000x128xf32, #tpu.memory_space<hbm>> -> memref<100000x128xf32, #tpu.memory_space<hbm>>
    tpu.enqueue_indirect_dma source(%dma_start3A_123 : memref<100000x128xf32, #tpu.memory_space<hbm>>) target(%arg13 : memref<128x128xf32, #tpu.memory_space<vmem>>) offsets(%dma_start3A_120 : memref<128xi32, #tpu.memory_space<vmem>>) semaphore(%arg22 : memref<!tpu.dma_semaphore, #tpu.memory_space<semaphore_mem>>)
    %dma_start3A_124 = arith.constant 256 : i32
    %dma_start3A_125 = tpu.memref_slice %arg11[%dma_start3A_124] : memref<512xi32, #tpu.memory_space<vmem>> -> memref<128xi32, #tpu.memory_space<vmem>>
    %dma_start3A_126 = arith.constant 0 : i32
    %dma_start3A_127 = arith.constant 0 : i32
    %dma_start3A_128 = tpu.memref_slice %arg5[%dma_start3A_126, %dma_start3A_127] : memref<100000x128xf32, #tpu.memory_space<hbm>> -> memref<100000x128xf32, #tpu.memory_space<hbm>>
    tpu.enqueue_indirect_dma source(%dma_start3A_128 : memref<100000x128xf32, #tpu.memory_space<hbm>>) target(%arg15 : memref<128x128xf32, #tpu.memory_space<vmem>>) offsets(%dma_start3A_125 : memref<128xi32, #tpu.memory_space<vmem>>) semaphore(%arg24 : memref<!tpu.dma_semaphore, #tpu.memory_space<semaphore_mem>>)
    %dma_start3A_129 = arith.constant 256 : i32
    %dma_start3A_130 = tpu.memref_slice %arg12[%dma_start3A_129] : memref<512xi32, #tpu.memory_space<vmem>> -> memref<128xi32, #tpu.memory_space<vmem>>
    %dma_start3A_131 = arith.constant 0 : i32
    %dma_start3A_132 = arith.constant 0 : i32
    %dma_start3A_133 = tpu.memref_slice %arg21[%dma_start3A_131, %dma_start3A_132] : memref<1000x128xf32, #tpu.memory_space<vmem_shared>> -> memref<1000x128xf32, #tpu.memory_space<vmem_shared>>
    tpu.enqueue_indirect_dma source(%dma_start3A_133 : memref<1000x128xf32, #tpu.memory_space<vmem_shared>>) target(%arg17 : memref<128x128xf32, #tpu.memory_space<vmem>>) offsets(%dma_start3A_130 : memref<128xi32, #tpu.memory_space<vmem>>) semaphore(%arg26 : memref<!tpu.dma_semaphore, #tpu.memory_space<semaphore_mem>>)
    %parallel_loop3A_134 = arith.constant 0 : i32
    %parallel_loop3A_135 = arith.constant 8 : i32
    %parallel_loop3A_136 = arith.constant 1 : i32
    scf.for %parallel_loop3A_188 = %parallel_loop3A_134 to %parallel_loop3A_135 step %parallel_loop3A_136  : i32 {
      %parallel_loop3A_189 = arith.constant 0 : i32
      %parallel_loop3A_190 = arith.constant 16 : i32
      %parallel_loop3A_191 = arith.constant 1 : i32
      %parallel_loop3A_192 = scf.for %parallel_loop3A_201 = %parallel_loop3A_189 to %parallel_loop3A_190 step %parallel_loop3A_191 iter_args(%parallel_loop3A_202 = %broadcast_in_dim3A_69) -> (vector<16xf32>)  : i32 {
        %parallel_loop3A_203 = arith.constant 16 : i32
        %parallel_loop3A_204 = arith.muli %parallel_loop3A_188, %parallel_loop3A_203 : i32
        %parallel_loop3A_205 = arith.addi %parallel_loop3A_204, %parallel_loop3A_201 : i32
        %parallel_loop3A_206 = arith.index_cast %parallel_loop3A_205 : i32 to index
        %parallel_loop3A_207 = arith.constant 0 : index
        %parallel_loop3A_208 = tpu.vector_load %arg14[%parallel_loop3A_206, %parallel_loop3A_207] {strides = array<i32>} : memref<128x128xf32, #tpu.memory_space<vmem>>, vector<16xf32>,
        %parallel_loop3A_209 = arith.index_cast %parallel_loop3A_205 : i32 to index
        %parallel_loop3A_210 = arith.constant 0 : index
        %parallel_loop3A_211 = tpu.vector_load %arg16[%parallel_loop3A_209, %parallel_loop3A_210] {strides = array<i32>} : memref<128x128xf32, #tpu.memory_space<vmem>>, vector<16xf32>,
        %parallel_loop3A_212 = arith.mulf %parallel_loop3A_208, %parallel_loop3A_211 : vector<16xf32>
        %parallel_loop3A_213 = arith.index_cast %parallel_loop3A_205 : i32 to index
        %parallel_loop3A_214 = arith.constant 0 : index
        %parallel_loop3A_215 = tpu.vector_load %arg18[%parallel_loop3A_213, %parallel_loop3A_214] {strides = array<i32>} : memref<128x128xf32, #tpu.memory_space<vmem>>, vector<16xf32>,
        %parallel_loop3A_216 = arith.mulf %parallel_loop3A_212, %parallel_loop3A_215 : vector<16xf32>
        %parallel_loop3A_217 = arith.index_cast %parallel_loop3A_205 : i32 to index
        %parallel_loop3A_218 = arith.constant 16 : index
        %parallel_loop3A_219 = tpu.vector_load %arg14[%parallel_loop3A_217, %parallel_loop3A_218] {strides = array<i32>} : memref<128x128xf32, #tpu.memory_space<vmem>>, vector<16xf32>,
        %parallel_loop3A_220 = arith.index_cast %parallel_loop3A_205 : i32 to index
        %parallel_loop3A_221 = arith.constant 16 : index
        %parallel_loop3A_222 = tpu.vector_load %arg16[%parallel_loop3A_220, %parallel_loop3A_221] {strides = array<i32>} : memref<128x128xf32, #tpu.memory_space<vmem>>, vector<16xf32>,
        %parallel_loop3A_223 = arith.mulf %parallel_loop3A_219, %parallel_loop3A_222 : vector<16xf32>
        %parallel_loop3A_224 = arith.index_cast %parallel_loop3A_205 : i32 to index
        %parallel_loop3A_225 = arith.constant 16 : index
        %parallel_loop3A_226 = tpu.vector_load %arg18[%parallel_loop3A_224, %parallel_loop3A_225] {strides = array<i32>} : memref<128x128xf32, #tpu.memory_space<vmem>>, vector<16xf32>,
        %parallel_loop3A_227 = arith.mulf %parallel_loop3A_223, %parallel_loop3A_226 : vector<16xf32>
        %parallel_loop3A_228 = arith.addf %parallel_loop3A_216, %parallel_loop3A_227 : vector<16xf32>
        %parallel_loop3A_229 = arith.index_cast %parallel_loop3A_205 : i32 to index
        %parallel_loop3A_230 = arith.constant 32 : index
        %parallel_loop3A_231 = tpu.vector_load %arg14[%parallel_loop3A_229, %parallel_loop3A_230] {strides = array<i32>} : memref<128x128xf32, #tpu.memory_space<vmem>>, vector<16xf32>,
        %parallel_loop3A_232 = arith.index_cast %parallel_loop3A_205 : i32 to index
        %parallel_loop3A_233 = arith.constant 32 : index
        %parallel_loop3A_234 = tpu.vector_load %arg16[%parallel_loop3A_232, %parallel_loop3A_233] {strides = array<i32>} : memref<128x128xf32, #tpu.memory_space<vmem>>, vector<16xf32>,
        %parallel_loop3A_235 = arith.mulf %parallel_loop3A_231, %parallel_loop3A_234 : vector<16xf32>
        %parallel_loop3A_236 = arith.index_cast %parallel_loop3A_205 : i32 to index
        %parallel_loop3A_237 = arith.constant 32 : index
        %parallel_loop3A_238 = tpu.vector_load %arg18[%parallel_loop3A_236, %parallel_loop3A_237] {strides = array<i32>} : memref<128x128xf32, #tpu.memory_space<vmem>>, vector<16xf32>,
        %parallel_loop3A_239 = arith.mulf %parallel_loop3A_235, %parallel_loop3A_238 : vector<16xf32>
        %parallel_loop3A_240 = arith.addf %parallel_loop3A_228, %parallel_loop3A_239 : vector<16xf32>
        %parallel_loop3A_241 = arith.index_cast %parallel_loop3A_205 : i32 to index
        %parallel_loop3A_242 = arith.constant 48 : index
        %parallel_loop3A_243 = tpu.vector_load %arg14[%parallel_loop3A_241, %parallel_loop3A_242] {strides = array<i32>} : memref<128x128xf32, #tpu.memory_space<vmem>>, vector<16xf32>,
        %parallel_loop3A_244 = arith.index_cast %parallel_loop3A_205 : i32 to index
        %parallel_loop3A_245 = arith.constant 48 : index
        %parallel_loop3A_246 = tpu.vector_load %arg16[%parallel_loop3A_244, %parallel_loop3A_245] {strides = array<i32>} : memref<128x128xf32, #tpu.memory_space<vmem>>, vector<16xf32>,
        %parallel_loop3A_247 = arith.mulf %parallel_loop3A_243, %parallel_loop3A_246 : vector<16xf32>
        %parallel_loop3A_248 = arith.index_cast %parallel_loop3A_205 : i32 to index
        %parallel_loop3A_249 = arith.constant 48 : index
        %parallel_loop3A_250 = tpu.vector_load %arg18[%parallel_loop3A_248, %parallel_loop3A_249] {strides = array<i32>} : memref<128x128xf32, #tpu.memory_space<vmem>>, vector<16xf32>,
        %parallel_loop3A_251 = arith.mulf %parallel_loop3A_247, %parallel_loop3A_250 : vector<16xf32>
        %parallel_loop3A_252 = arith.addf %parallel_loop3A_240, %parallel_loop3A_251 : vector<16xf32>
        %parallel_loop3A_253 = arith.index_cast %parallel_loop3A_205 : i32 to index
        %parallel_loop3A_254 = arith.constant 64 : index
        %parallel_loop3A_255 = tpu.vector_load %arg14[%parallel_loop3A_253, %parallel_loop3A_254] {strides = array<i32>} : memref<128x128xf32, #tpu.memory_space<vmem>>, vector<16xf32>,
        %parallel_loop3A_256 = arith.index_cast %parallel_loop3A_205 : i32 to index
        %parallel_loop3A_257 = arith.constant 64 : index
        %parallel_loop3A_258 = tpu.vector_load %arg16[%parallel_loop3A_256, %parallel_loop3A_257] {strides = array<i32>} : memref<128x128xf32, #tpu.memory_space<vmem>>, vector<16xf32>,
        %parallel_loop3A_259 = arith.mulf %parallel_loop3A_255, %parallel_loop3A_258 : vector<16xf32>
        %parallel_loop3A_260 = arith.index_cast %parallel_loop3A_205 : i32 to index
        %parallel_loop3A_261 = arith.constant 64 : index
        %parallel_loop3A_262 = tpu.vector_load %arg18[%parallel_loop3A_260, %parallel_loop3A_261] {strides = array<i32>} : memref<128x128xf32, #tpu.memory_space<vmem>>, vector<16xf32>,
        %parallel_loop3A_263 = arith.mulf %parallel_loop3A_259, %parallel_loop3A_262 : vector<16xf32>
        %parallel_loop3A_264 = arith.addf %parallel_loop3A_252, %parallel_loop3A_263 : vector<16xf32>
        %parallel_loop3A_265 = arith.index_cast %parallel_loop3A_205 : i32 to index
        %parallel_loop3A_266 = arith.constant 80 : index
        %parallel_loop3A_267 = tpu.vector_load %arg14[%parallel_loop3A_265, %parallel_loop3A_266] {strides = array<i32>} : memref<128x128xf32, #tpu.memory_space<vmem>>, vector<16xf32>,
        %parallel_loop3A_268 = arith.index_cast %parallel_loop3A_205 : i32 to index
        %parallel_loop3A_269 = arith.constant 80 : index
        %parallel_loop3A_270 = tpu.vector_load %arg16[%parallel_loop3A_268, %parallel_loop3A_269] {strides = array<i32>} : memref<128x128xf32, #tpu.memory_space<vmem>>, vector<16xf32>,
        %parallel_loop3A_271 = arith.mulf %parallel_loop3A_267, %parallel_loop3A_270 : vector<16xf32>
        %parallel_loop3A_272 = arith.index_cast %parallel_loop3A_205 : i32 to index
        %parallel_loop3A_273 = arith.constant 80 : index
        %parallel_loop3A_274 = tpu.vector_load %arg18[%parallel_loop3A_272, %parallel_loop3A_273] {strides = array<i32>} : memref<128x128xf32, #tpu.memory_space<vmem>>, vector<16xf32>,
        %parallel_loop3A_275 = arith.mulf %parallel_loop3A_271, %parallel_loop3A_274 : vector<16xf32>
        %parallel_loop3A_276 = arith.addf %parallel_loop3A_264, %parallel_loop3A_275 : vector<16xf32>
        %parallel_loop3A_277 = arith.index_cast %parallel_loop3A_205 : i32 to index
        %parallel_loop3A_278 = arith.constant 96 : index
        %parallel_loop3A_279 = tpu.vector_load %arg14[%parallel_loop3A_277, %parallel_loop3A_278] {strides = array<i32>} : memref<128x128xf32, #tpu.memory_space<vmem>>, vector<16xf32>,
        %parallel_loop3A_280 = arith.index_cast %parallel_loop3A_205 : i32 to index
        %parallel_loop3A_281 = arith.constant 96 : index
        %parallel_loop3A_282 = tpu.vector_load %arg16[%parallel_loop3A_280, %parallel_loop3A_281] {strides = array<i32>} : memref<128x128xf32, #tpu.memory_space<vmem>>, vector<16xf32>,
        %parallel_loop3A_283 = arith.mulf %parallel_loop3A_279, %parallel_loop3A_282 : vector<16xf32>
        %parallel_loop3A_284 = arith.index_cast %parallel_loop3A_205 : i32 to index
        %parallel_loop3A_285 = arith.constant 96 : index
        %parallel_loop3A_286 = tpu.vector_load %arg18[%parallel_loop3A_284, %parallel_loop3A_285] {strides = array<i32>} : memref<128x128xf32, #tpu.memory_space<vmem>>, vector<16xf32>,
        %parallel_loop3A_287 = arith.mulf %parallel_loop3A_283, %parallel_loop3A_286 : vector<16xf32>
        %parallel_loop3A_288 = arith.addf %parallel_loop3A_276, %parallel_loop3A_287 : vector<16xf32>
        %parallel_loop3A_289 = arith.index_cast %parallel_loop3A_205 : i32 to index
        %parallel_loop3A_290 = arith.constant 112 : index
        %parallel_loop3A_291 = tpu.vector_load %arg14[%parallel_loop3A_289, %parallel_loop3A_290] {strides = array<i32>} : memref<128x128xf32, #tpu.memory_space<vmem>>, vector<16xf32>,
        %parallel_loop3A_292 = arith.index_cast %parallel_loop3A_205 : i32 to index
        %parallel_loop3A_293 = arith.constant 112 : index
        %parallel_loop3A_294 = tpu.vector_load %arg16[%parallel_loop3A_292, %parallel_loop3A_293] {strides = array<i32>} : memref<128x128xf32, #tpu.memory_space<vmem>>, vector<16xf32>,
        %parallel_loop3A_295 = arith.mulf %parallel_loop3A_291, %parallel_loop3A_294 : vector<16xf32>
        %parallel_loop3A_296 = arith.index_cast %parallel_loop3A_205 : i32 to index
        %parallel_loop3A_297 = arith.constant 112 : index
        %parallel_loop3A_298 = tpu.vector_load %arg18[%parallel_loop3A_296, %parallel_loop3A_297] {strides = array<i32>} : memref<128x128xf32, #tpu.memory_space<vmem>>, vector<16xf32>,
        %parallel_loop3A_299 = arith.mulf %parallel_loop3A_295, %parallel_loop3A_298 : vector<16xf32>
        %parallel_loop3A_300 = arith.addf %parallel_loop3A_288, %parallel_loop3A_299 : vector<16xf32>
        %parallel_loop3A_301 = arith.constant true
        %parallel_loop3A_302 = vector.broadcast %parallel_loop3A_301 : i1 to vector<16xi1>
        %parallel_loop3A_303 = tpu.scan <sum>, %parallel_loop3A_300 masked %parallel_loop3A_302 : vector<16xf32>, vector<16xi1> -> vector<16xf32>
        %parallel_loop3A_304 = vector.shape_cast %broadcast_in_dim3A_71 : vector<16xi32> to vector<16x1xi32>
        %parallel_loop3A_305 = vector.shape_cast %parallel_loop3A_304 : vector<16x1xi32> to vector<16xi32>
        %parallel_loop3A_306 = tpu.dynamic_gather %parallel_loop3A_303[%parallel_loop3A_305] in [0] : vector<16xf32>, vector<16xi32> -> vector<16xf32>
        %parallel_loop3A_307 = vector.broadcast %parallel_loop3A_201 : i32 to vector<16xi32>
        %parallel_loop3A_308 = arith.cmpi eq, %iota3A, %parallel_loop3A_307 : vector<16xi32>
        %parallel_loop3A_309 = arith.select %parallel_loop3A_308, %parallel_loop3A_306, %parallel_loop3A_202 : vector<16xi1>, vector<16xf32>
        scf.yield %parallel_loop3A_309 : vector<16xf32>
      } {sc.loop_unroll_factor = 1 : i64, sc.parallel_access}
      %parallel_loop3A_193 = arith.constant 16 : i32
      %parallel_loop3A_194 = arith.muli %parallel_loop3A_188, %parallel_loop3A_193 : i32
      %parallel_loop3A_195 = arith.constant 128 : i32
      %parallel_loop3A_196 = arith.addi %parallel_loop3A_195, %parallel_loop3A_194 : i32
      %parallel_loop3A_197 = tpu.assume_multiple %parallel_loop3A_196, 16 : i32
      %parallel_loop3A_198 = arith.addf %parallel_loop3A_192, %gather3A : vector<16xf32>
      %parallel_loop3A_199 = arith.index_cast %parallel_loop3A_197 : i32 to index
      %parallel_loop3A_200 = tpu.vector_load %arg20[%parallel_loop3A_199] {strides = array<i32>} : memref<512xf32, #tpu.memory_space<vmem>>, vector<16xf32>,
      tpu.vector_store %arg20[%parallel_loop3A_199], %parallel_loop3A_198 {strides = array<i32>} : memref<512xf32, #tpu.memory_space<vmem>>, vector<16xf32>,
    } {sc.loop_unroll_factor = 1 : i64, sc.parallel_access}
    %dma_wait3A_137 = arith.constant 256 : i32
    %dma_wait3A_138 = tpu.memref_slice %arg10[%dma_wait3A_137] : memref<512xi32, #tpu.memory_space<vmem>> -> memref<128xi32, #tpu.memory_space<vmem>>
    %dma_wait3A_139 = arith.constant 0 : i32
    %dma_wait3A_140 = arith.constant 0 : i32
    %dma_wait3A_141 = tpu.memref_slice %arg5[%dma_wait3A_139, %dma_wait3A_140] : memref<100000x128xf32, #tpu.memory_space<hbm>> -> memref<100000x128xf32, #tpu.memory_space<hbm>>
    tpu.wait_indirect_dma semaphore(%arg22 : memref<!tpu.dma_semaphore, #tpu.memory_space<semaphore_mem>>) src(%dma_wait3A_141 : memref<100000x128xf32, #tpu.memory_space<hbm>>) dst(%arg13 : memref<128x128xf32, #tpu.memory_space<vmem>>)
    %dma_wait3A_142 = arith.constant 256 : i32
    %dma_wait3A_143 = tpu.memref_slice %arg11[%dma_wait3A_142] : memref<512xi32, #tpu.memory_space<vmem>> -> memref<128xi32, #tpu.memory_space<vmem>>
    %dma_wait3A_144 = arith.constant 0 : i32
    %dma_wait3A_145 = arith.constant 0 : i32
    %dma_wait3A_146 = tpu.memref_slice %arg5[%dma_wait3A_144, %dma_wait3A_145] : memref<100000x128xf32, #tpu.memory_space<hbm>> -> memref<100000x128xf32, #tpu.memory_space<hbm>>
    tpu.wait_indirect_dma semaphore(%arg24 : memref<!tpu.dma_semaphore, #tpu.memory_space<semaphore_mem>>) src(%dma_wait3A_146 : memref<100000x128xf32, #tpu.memory_space<hbm>>) dst(%arg15 : memref<128x128xf32, #tpu.memory_space<vmem>>)
    %dma_wait3A_147 = arith.constant 256 : i32
    %dma_wait3A_148 = tpu.memref_slice %arg12[%dma_wait3A_147] : memref<512xi32, #tpu.memory_space<vmem>> -> memref<128xi32, #tpu.memory_space<vmem>>
    %dma_wait3A_149 = arith.constant 0 : i32
    %dma_wait3A_150 = arith.constant 0 : i32
    %dma_wait3A_151 = tpu.memref_slice %arg21[%dma_wait3A_149, %dma_wait3A_150] : memref<1000x128xf32, #tpu.memory_space<vmem_shared>> -> memref<1000x128xf32, #tpu.memory_space<vmem_shared>>
    tpu.wait_indirect_dma semaphore(%arg26 : memref<!tpu.dma_semaphore, #tpu.memory_space<semaphore_mem>>) src(%dma_wait3A_151 : memref<1000x128xf32, #tpu.memory_space<vmem_shared>>) dst(%arg17 : memref<128x128xf32, #tpu.memory_space<vmem>>)
    %dma_start3A_152 = arith.constant 384 : i32
    %dma_start3A_153 = tpu.memref_slice %arg10[%dma_start3A_152] : memref<512xi32, #tpu.memory_space<vmem>> -> memref<128xi32, #tpu.memory_space<vmem>>
    %dma_start3A_154 = arith.constant 0 : i32
    %dma_start3A_155 = arith.constant 0 : i32
    %dma_start3A_156 = tpu.memref_slice %arg5[%dma_start3A_154, %dma_start3A_155] : memref<100000x128xf32, #tpu.memory_space<hbm>> -> memref<100000x128xf32, #tpu.memory_space<hbm>>
    tpu.enqueue_indirect_dma source(%dma_start3A_156 : memref<100000x128xf32, #tpu.memory_space<hbm>>) target(%arg14 : memref<128x128xf32, #tpu.memory_space<vmem>>) offsets(%dma_start3A_153 : memref<128xi32, #tpu.memory_space<vmem>>) semaphore(%arg23 : memref<!tpu.dma_semaphore, #tpu.memory_space<semaphore_mem>>)
    %dma_start3A_157 = arith.constant 384 : i32
    %dma_start3A_158 = tpu.memref_slice %arg11[%dma_start3A_157] : memref<512xi32, #tpu.memory_space<vmem>> -> memref<128xi32, #tpu.memory_space<vmem>>
    %dma_start3A_159 = arith.constant 0 : i32
    %dma_start3A_160 = arith.constant 0 : i32
    %dma_start3A_161 = tpu.memref_slice %arg5[%dma_start3A_159, %dma_start3A_160] : memref<100000x128xf32, #tpu.memory_space<hbm>> -> memref<100000x128xf32, #tpu.memory_space<hbm>>
    tpu.enqueue_indirect_dma source(%dma_start3A_161 : memref<100000x128xf32, #tpu.memory_space<hbm>>) target(%arg16 : memref<128x128xf32, #tpu.memory_space<vmem>>) offsets(%dma_start3A_158 : memref<128xi32, #tpu.memory_space<vmem>>) semaphore(%arg25 : memref<!tpu.dma_semaphore, #tpu.memory_space<semaphore_mem>>)
    %dma_start3A_162 = arith.constant 384 : i32
    %dma_start3A_163 = tpu.memref_slice %arg12[%dma_start3A_162] : memref<512xi32, #tpu.memory_space<vmem>> -> memref<128xi32, #tpu.memory_space<vmem>>
    %dma_start3A_164 = arith.constant 0 : i32
    %dma_start3A_165 = arith.constant 0 : i32
    %dma_start3A_166 = tpu.memref_slice %arg21[%dma_start3A_164, %dma_start3A_165] : memref<1000x128xf32, #tpu.memory_space<vmem_shared>> -> memref<1000x128xf32, #tpu.memory_space<vmem_shared>>
    tpu.enqueue_indirect_dma source(%dma_start3A_166 : memref<1000x128xf32, #tpu.memory_space<vmem_shared>>) target(%arg18 : memref<128x128xf32, #tpu.memory_space<vmem>>) offsets(%dma_start3A_163 : memref<128xi32, #tpu.memory_space<vmem>>) semaphore(%arg27 : memref<!tpu.dma_semaphore, #tpu.memory_space<semaphore_mem>>)
    %parallel_loop3A_167 = arith.constant 0 : i32
    %parallel_loop3A_168 = arith.constant 8 : i32
    %parallel_loop3A_169 = arith.constant 1 : i32
    scf.for %parallel_loop3A_188 = %parallel_loop3A_167 to %parallel_loop3A_168 step %parallel_loop3A_169  : i32 {
      %parallel_loop3A_189 = arith.constant 0 : i32
      %parallel_loop3A_190 = arith.constant 16 : i32
      %parallel_loop3A_191 = arith.constant 1 : i32
      %parallel_loop3A_192 = scf.for %parallel_loop3A_201 = %parallel_loop3A_189 to %parallel_loop3A_190 step %parallel_loop3A_191 iter_args(%parallel_loop3A_202 = %broadcast_in_dim3A_69) -> (vector<16xf32>)  : i32 {
        %parallel_loop3A_203 = arith.constant 16 : i32
        %parallel_loop3A_204 = arith.muli %parallel_loop3A_188, %parallel_loop3A_203 : i32
        %parallel_loop3A_205 = arith.addi %parallel_loop3A_204, %parallel_loop3A_201 : i32
        %parallel_loop3A_206 = arith.index_cast %parallel_loop3A_205 : i32 to index
        %parallel_loop3A_207 = arith.constant 0 : index
        %parallel_loop3A_208 = tpu.vector_load %arg13[%parallel_loop3A_206, %parallel_loop3A_207] {strides = array<i32>} : memref<128x128xf32, #tpu.memory_space<vmem>>, vector<16xf32>,
        %parallel_loop3A_209 = arith.index_cast %parallel_loop3A_205 : i32 to index
        %parallel_loop3A_210 = arith.constant 0 : index
        %parallel_loop3A_211 = tpu.vector_load %arg15[%parallel_loop3A_209, %parallel_loop3A_210] {strides = array<i32>} : memref<128x128xf32, #tpu.memory_space<vmem>>, vector<16xf32>,
        %parallel_loop3A_212 = arith.mulf %parallel_loop3A_208, %parallel_loop3A_211 : vector<16xf32>
        %parallel_loop3A_213 = arith.index_cast %parallel_loop3A_205 : i32 to index
        %parallel_loop3A_214 = arith.constant 0 : index
        %parallel_loop3A_215 = tpu.vector_load %arg17[%parallel_loop3A_213, %parallel_loop3A_214] {strides = array<i32>} : memref<128x128xf32, #tpu.memory_space<vmem>>, vector<16xf32>,
        %parallel_loop3A_216 = arith.mulf %parallel_loop3A_212, %parallel_loop3A_215 : vector<16xf32>
        %parallel_loop3A_217 = arith.index_cast %parallel_loop3A_205 : i32 to index
        %parallel_loop3A_218 = arith.constant 16 : index
        %parallel_loop3A_219 = tpu.vector_load %arg13[%parallel_loop3A_217, %parallel_loop3A_218] {strides = array<i32>} : memref<128x128xf32, #tpu.memory_space<vmem>>, vector<16xf32>,
        %parallel_loop3A_220 = arith.index_cast %parallel_loop3A_205 : i32 to index
        %parallel_loop3A_221 = arith.constant 16 : index
        %parallel_loop3A_222 = tpu.vector_load %arg15[%parallel_loop3A_220, %parallel_loop3A_221] {strides = array<i32>} : memref<128x128xf32, #tpu.memory_space<vmem>>, vector<16xf32>,
        %parallel_loop3A_223 = arith.mulf %parallel_loop3A_219, %parallel_loop3A_222 : vector<16xf32>
        %parallel_loop3A_224 = arith.index_cast %parallel_loop3A_205 : i32 to index
        %parallel_loop3A_225 = arith.constant 16 : index
        %parallel_loop3A_226 = tpu.vector_load %arg17[%parallel_loop3A_224, %parallel_loop3A_225] {strides = array<i32>} : memref<128x128xf32, #tpu.memory_space<vmem>>, vector<16xf32>,
        %parallel_loop3A_227 = arith.mulf %parallel_loop3A_223, %parallel_loop3A_226 : vector<16xf32>
        %parallel_loop3A_228 = arith.addf %parallel_loop3A_216, %parallel_loop3A_227 : vector<16xf32>
        %parallel_loop3A_229 = arith.index_cast %parallel_loop3A_205 : i32 to index
        %parallel_loop3A_230 = arith.constant 32 : index
        %parallel_loop3A_231 = tpu.vector_load %arg13[%parallel_loop3A_229, %parallel_loop3A_230] {strides = array<i32>} : memref<128x128xf32, #tpu.memory_space<vmem>>, vector<16xf32>,
        %parallel_loop3A_232 = arith.index_cast %parallel_loop3A_205 : i32 to index
        %parallel_loop3A_233 = arith.constant 32 : index
        %parallel_loop3A_234 = tpu.vector_load %arg15[%parallel_loop3A_232, %parallel_loop3A_233] {strides = array<i32>} : memref<128x128xf32, #tpu.memory_space<vmem>>, vector<16xf32>,
        %parallel_loop3A_235 = arith.mulf %parallel_loop3A_231, %parallel_loop3A_234 : vector<16xf32>
        %parallel_loop3A_236 = arith.index_cast %parallel_loop3A_205 : i32 to index
        %parallel_loop3A_237 = arith.constant 32 : index
        %parallel_loop3A_238 = tpu.vector_load %arg17[%parallel_loop3A_236, %parallel_loop3A_237] {strides = array<i32>} : memref<128x128xf32, #tpu.memory_space<vmem>>, vector<16xf32>,
        %parallel_loop3A_239 = arith.mulf %parallel_loop3A_235, %parallel_loop3A_238 : vector<16xf32>
        %parallel_loop3A_240 = arith.addf %parallel_loop3A_228, %parallel_loop3A_239 : vector<16xf32>
        %parallel_loop3A_241 = arith.index_cast %parallel_loop3A_205 : i32 to index
        %parallel_loop3A_242 = arith.constant 48 : index
        %parallel_loop3A_243 = tpu.vector_load %arg13[%parallel_loop3A_241, %parallel_loop3A_242] {strides = array<i32>} : memref<128x128xf32, #tpu.memory_space<vmem>>, vector<16xf32>,
        %parallel_loop3A_244 = arith.index_cast %parallel_loop3A_205 : i32 to index
        %parallel_loop3A_245 = arith.constant 48 : index
        %parallel_loop3A_246 = tpu.vector_load %arg15[%parallel_loop3A_244, %parallel_loop3A_245] {strides = array<i32>} : memref<128x128xf32, #tpu.memory_space<vmem>>, vector<16xf32>,
        %parallel_loop3A_247 = arith.mulf %parallel_loop3A_243, %parallel_loop3A_246 : vector<16xf32>
        %parallel_loop3A_248 = arith.index_cast %parallel_loop3A_205 : i32 to index
        %parallel_loop3A_249 = arith.constant 48 : index
        %parallel_loop3A_250 = tpu.vector_load %arg17[%parallel_loop3A_248, %parallel_loop3A_249] {strides = array<i32>} : memref<128x128xf32, #tpu.memory_space<vmem>>, vector<16xf32>,
        %parallel_loop3A_251 = arith.mulf %parallel_loop3A_247, %parallel_loop3A_250 : vector<16xf32>
        %parallel_loop3A_252 = arith.addf %parallel_loop3A_240, %parallel_loop3A_251 : vector<16xf32>
        %parallel_loop3A_253 = arith.index_cast %parallel_loop3A_205 : i32 to index
        %parallel_loop3A_254 = arith.constant 64 : index
        %parallel_loop3A_255 = tpu.vector_load %arg13[%parallel_loop3A_253, %parallel_loop3A_254] {strides = array<i32>} : memref<128x128xf32, #tpu.memory_space<vmem>>, vector<16xf32>,
        %parallel_loop3A_256 = arith.index_cast %parallel_loop3A_205 : i32 to index
        %parallel_loop3A_257 = arith.constant 64 : index
        %parallel_loop3A_258 = tpu.vector_load %arg15[%parallel_loop3A_256, %parallel_loop3A_257] {strides = array<i32>} : memref<128x128xf32, #tpu.memory_space<vmem>>, vector<16xf32>,
        %parallel_loop3A_259 = arith.mulf %parallel_loop3A_255, %parallel_loop3A_258 : vector<16xf32>
        %parallel_loop3A_260 = arith.index_cast %parallel_loop3A_205 : i32 to index
        %parallel_loop3A_261 = arith.constant 64 : index
        %parallel_loop3A_262 = tpu.vector_load %arg17[%parallel_loop3A_260, %parallel_loop3A_261] {strides = array<i32>} : memref<128x128xf32, #tpu.memory_space<vmem>>, vector<16xf32>,
        %parallel_loop3A_263 = arith.mulf %parallel_loop3A_259, %parallel_loop3A_262 : vector<16xf32>
        %parallel_loop3A_264 = arith.addf %parallel_loop3A_252, %parallel_loop3A_263 : vector<16xf32>
        %parallel_loop3A_265 = arith.index_cast %parallel_loop3A_205 : i32 to index
        %parallel_loop3A_266 = arith.constant 80 : index
        %parallel_loop3A_267 = tpu.vector_load %arg13[%parallel_loop3A_265, %parallel_loop3A_266] {strides = array<i32>} : memref<128x128xf32, #tpu.memory_space<vmem>>, vector<16xf32>,
        %parallel_loop3A_268 = arith.index_cast %parallel_loop3A_205 : i32 to index
        %parallel_loop3A_269 = arith.constant 80 : index
        %parallel_loop3A_270 = tpu.vector_load %arg15[%parallel_loop3A_268, %parallel_loop3A_269] {strides = array<i32>} : memref<128x128xf32, #tpu.memory_space<vmem>>, vector<16xf32>,
        %parallel_loop3A_271 = arith.mulf %parallel_loop3A_267, %parallel_loop3A_270 : vector<16xf32>
        %parallel_loop3A_272 = arith.index_cast %parallel_loop3A_205 : i32 to index
        %parallel_loop3A_273 = arith.constant 80 : index
        %parallel_loop3A_274 = tpu.vector_load %arg17[%parallel_loop3A_272, %parallel_loop3A_273] {strides = array<i32>} : memref<128x128xf32, #tpu.memory_space<vmem>>, vector<16xf32>,
        %parallel_loop3A_275 = arith.mulf %parallel_loop3A_271, %parallel_loop3A_274 : vector<16xf32>
        %parallel_loop3A_276 = arith.addf %parallel_loop3A_264, %parallel_loop3A_275 : vector<16xf32>
        %parallel_loop3A_277 = arith.index_cast %parallel_loop3A_205 : i32 to index
        %parallel_loop3A_278 = arith.constant 96 : index
        %parallel_loop3A_279 = tpu.vector_load %arg13[%parallel_loop3A_277, %parallel_loop3A_278] {strides = array<i32>} : memref<128x128xf32, #tpu.memory_space<vmem>>, vector<16xf32>,
        %parallel_loop3A_280 = arith.index_cast %parallel_loop3A_205 : i32 to index
        %parallel_loop3A_281 = arith.constant 96 : index
        %parallel_loop3A_282 = tpu.vector_load %arg15[%parallel_loop3A_280, %parallel_loop3A_281] {strides = array<i32>} : memref<128x128xf32, #tpu.memory_space<vmem>>, vector<16xf32>,
        %parallel_loop3A_283 = arith.mulf %parallel_loop3A_279, %parallel_loop3A_282 : vector<16xf32>
        %parallel_loop3A_284 = arith.index_cast %parallel_loop3A_205 : i32 to index
        %parallel_loop3A_285 = arith.constant 96 : index
        %parallel_loop3A_286 = tpu.vector_load %arg17[%parallel_loop3A_284, %parallel_loop3A_285] {strides = array<i32>} : memref<128x128xf32, #tpu.memory_space<vmem>>, vector<16xf32>,
        %parallel_loop3A_287 = arith.mulf %parallel_loop3A_283, %parallel_loop3A_286 : vector<16xf32>
        %parallel_loop3A_288 = arith.addf %parallel_loop3A_276, %parallel_loop3A_287 : vector<16xf32>
        %parallel_loop3A_289 = arith.index_cast %parallel_loop3A_205 : i32 to index
        %parallel_loop3A_290 = arith.constant 112 : index
        %parallel_loop3A_291 = tpu.vector_load %arg13[%parallel_loop3A_289, %parallel_loop3A_290] {strides = array<i32>} : memref<128x128xf32, #tpu.memory_space<vmem>>, vector<16xf32>,
        %parallel_loop3A_292 = arith.index_cast %parallel_loop3A_205 : i32 to index
        %parallel_loop3A_293 = arith.constant 112 : index
        %parallel_loop3A_294 = tpu.vector_load %arg15[%parallel_loop3A_292, %parallel_loop3A_293] {strides = array<i32>} : memref<128x128xf32, #tpu.memory_space<vmem>>, vector<16xf32>,
        %parallel_loop3A_295 = arith.mulf %parallel_loop3A_291, %parallel_loop3A_294 : vector<16xf32>
        %parallel_loop3A_296 = arith.index_cast %parallel_loop3A_205 : i32 to index
        %parallel_loop3A_297 = arith.constant 112 : index
        %parallel_loop3A_298 = tpu.vector_load %arg17[%parallel_loop3A_296, %parallel_loop3A_297] {strides = array<i32>} : memref<128x128xf32, #tpu.memory_space<vmem>>, vector<16xf32>,
        %parallel_loop3A_299 = arith.mulf %parallel_loop3A_295, %parallel_loop3A_298 : vector<16xf32>
        %parallel_loop3A_300 = arith.addf %parallel_loop3A_288, %parallel_loop3A_299 : vector<16xf32>
        %parallel_loop3A_301 = arith.constant true
        %parallel_loop3A_302 = vector.broadcast %parallel_loop3A_301 : i1 to vector<16xi1>
        %parallel_loop3A_303 = tpu.scan <sum>, %parallel_loop3A_300 masked %parallel_loop3A_302 : vector<16xf32>, vector<16xi1> -> vector<16xf32>
        %parallel_loop3A_304 = vector.shape_cast %broadcast_in_dim3A_71 : vector<16xi32> to vector<16x1xi32>
        %parallel_loop3A_305 = vector.shape_cast %parallel_loop3A_304 : vector<16x1xi32> to vector<16xi32>
        %parallel_loop3A_306 = tpu.dynamic_gather %parallel_loop3A_303[%parallel_loop3A_305] in [0] : vector<16xf32>, vector<16xi32> -> vector<16xf32>
        %parallel_loop3A_307 = vector.broadcast %parallel_loop3A_201 : i32 to vector<16xi32>
        %parallel_loop3A_308 = arith.cmpi eq, %iota3A, %parallel_loop3A_307 : vector<16xi32>
        %parallel_loop3A_309 = arith.select %parallel_loop3A_308, %parallel_loop3A_306, %parallel_loop3A_202 : vector<16xi1>, vector<16xf32>
        scf.yield %parallel_loop3A_309 : vector<16xf32>
      } {sc.loop_unroll_factor = 1 : i64, sc.parallel_access}
      %parallel_loop3A_193 = arith.constant 16 : i32
      %parallel_loop3A_194 = arith.muli %parallel_loop3A_188, %parallel_loop3A_193 : i32
      %parallel_loop3A_195 = arith.constant 256 : i32
      %parallel_loop3A_196 = arith.addi %parallel_loop3A_195, %parallel_loop3A_194 : i32
      %parallel_loop3A_197 = tpu.assume_multiple %parallel_loop3A_196, 16 : i32
      %parallel_loop3A_198 = arith.addf %parallel_loop3A_192, %gather3A : vector<16xf32>
      %parallel_loop3A_199 = arith.index_cast %parallel_loop3A_197 : i32 to index
      %parallel_loop3A_200 = tpu.vector_load %arg20[%parallel_loop3A_199] {strides = array<i32>} : memref<512xf32, #tpu.memory_space<vmem>>, vector<16xf32>,
      tpu.vector_store %arg20[%parallel_loop3A_199], %parallel_loop3A_198 {strides = array<i32>} : memref<512xf32, #tpu.memory_space<vmem>>, vector<16xf32>,
    } {sc.loop_unroll_factor = 1 : i64, sc.parallel_access}
    %dma_wait3A_170 = arith.constant 384 : i32
    %dma_wait3A_171 = tpu.memref_slice %arg10[%dma_wait3A_170] : memref<512xi32, #tpu.memory_space<vmem>> -> memref<128xi32, #tpu.memory_space<vmem>>
    %dma_wait3A_172 = arith.constant 0 : i32
    %dma_wait3A_173 = arith.constant 0 : i32
    %dma_wait3A_174 = tpu.memref_slice %arg5[%dma_wait3A_172, %dma_wait3A_173] : memref<100000x128xf32, #tpu.memory_space<hbm>> -> memref<100000x128xf32, #tpu.memory_space<hbm>>
    tpu.wait_indirect_dma semaphore(%arg23 : memref<!tpu.dma_semaphore, #tpu.memory_space<semaphore_mem>>) src(%dma_wait3A_174 : memref<100000x128xf32, #tpu.memory_space<hbm>>) dst(%arg14 : memref<128x128xf32, #tpu.memory_space<vmem>>)
    %dma_wait3A_175 = arith.constant 384 : i32
    %dma_wait3A_176 = tpu.memref_slice %arg11[%dma_wait3A_175] : memref<512xi32, #tpu.memory_space<vmem>> -> memref<128xi32, #tpu.memory_space<vmem>>
    %dma_wait3A_177 = arith.constant 0 : i32
    %dma_wait3A_178 = arith.constant 0 : i32
    %dma_wait3A_179 = tpu.memref_slice %arg5[%dma_wait3A_177, %dma_wait3A_178] : memref<100000x128xf32, #tpu.memory_space<hbm>> -> memref<100000x128xf32, #tpu.memory_space<hbm>>
    tpu.wait_indirect_dma semaphore(%arg25 : memref<!tpu.dma_semaphore, #tpu.memory_space<semaphore_mem>>) src(%dma_wait3A_179 : memref<100000x128xf32, #tpu.memory_space<hbm>>) dst(%arg16 : memref<128x128xf32, #tpu.memory_space<vmem>>)
    %dma_wait3A_180 = arith.constant 384 : i32
    %dma_wait3A_181 = tpu.memref_slice %arg12[%dma_wait3A_180] : memref<512xi32, #tpu.memory_space<vmem>> -> memref<128xi32, #tpu.memory_space<vmem>>
    %dma_wait3A_182 = arith.constant 0 : i32
    %dma_wait3A_183 = arith.constant 0 : i32
    %dma_wait3A_184 = tpu.memref_slice %arg21[%dma_wait3A_182, %dma_wait3A_183] : memref<1000x128xf32, #tpu.memory_space<vmem_shared>> -> memref<1000x128xf32, #tpu.memory_space<vmem_shared>>
    tpu.wait_indirect_dma semaphore(%arg27 : memref<!tpu.dma_semaphore, #tpu.memory_space<semaphore_mem>>) src(%dma_wait3A_184 : memref<1000x128xf32, #tpu.memory_space<vmem_shared>>) dst(%arg18 : memref<128x128xf32, #tpu.memory_space<vmem>>)
    %parallel_loop3A_185 = arith.constant 0 : i32
    %parallel_loop3A_186 = arith.constant 8 : i32
    %parallel_loop3A_187 = arith.constant 1 : i32
    scf.for %parallel_loop3A_188 = %parallel_loop3A_185 to %parallel_loop3A_186 step %parallel_loop3A_187  : i32 {
      %parallel_loop3A_189 = arith.constant 0 : i32
      %parallel_loop3A_190 = arith.constant 16 : i32
      %parallel_loop3A_191 = arith.constant 1 : i32
      %parallel_loop3A_192 = scf.for %parallel_loop3A_201 = %parallel_loop3A_189 to %parallel_loop3A_190 step %parallel_loop3A_191 iter_args(%parallel_loop3A_202 = %broadcast_in_dim3A_69) -> (vector<16xf32>)  : i32 {
        %parallel_loop3A_203 = arith.constant 16 : i32
        %parallel_loop3A_204 = arith.muli %parallel_loop3A_188, %parallel_loop3A_203 : i32
        %parallel_loop3A_205 = arith.addi %parallel_loop3A_204, %parallel_loop3A_201 : i32
        %parallel_loop3A_206 = arith.index_cast %parallel_loop3A_205 : i32 to index
        %parallel_loop3A_207 = arith.constant 0 : index
        %parallel_loop3A_208 = tpu.vector_load %arg14[%parallel_loop3A_206, %parallel_loop3A_207] {strides = array<i32>} : memref<128x128xf32, #tpu.memory_space<vmem>>, vector<16xf32>,
        %parallel_loop3A_209 = arith.index_cast %parallel_loop3A_205 : i32 to index
        %parallel_loop3A_210 = arith.constant 0 : index
        %parallel_loop3A_211 = tpu.vector_load %arg16[%parallel_loop3A_209, %parallel_loop3A_210] {strides = array<i32>} : memref<128x128xf32, #tpu.memory_space<vmem>>, vector<16xf32>,
        %parallel_loop3A_212 = arith.mulf %parallel_loop3A_208, %parallel_loop3A_211 : vector<16xf32>
        %parallel_loop3A_213 = arith.index_cast %parallel_loop3A_205 : i32 to index
        %parallel_loop3A_214 = arith.constant 0 : index
        %parallel_loop3A_215 = tpu.vector_load %arg18[%parallel_loop3A_213, %parallel_loop3A_214] {strides = array<i32>} : memref<128x128xf32, #tpu.memory_space<vmem>>, vector<16xf32>,
        %parallel_loop3A_216 = arith.mulf %parallel_loop3A_212, %parallel_loop3A_215 : vector<16xf32>
        %parallel_loop3A_217 = arith.index_cast %parallel_loop3A_205 : i32 to index
        %parallel_loop3A_218 = arith.constant 16 : index
        %parallel_loop3A_219 = tpu.vector_load %arg14[%parallel_loop3A_217, %parallel_loop3A_218] {strides = array<i32>} : memref<128x128xf32, #tpu.memory_space<vmem>>, vector<16xf32>,
        %parallel_loop3A_220 = arith.index_cast %parallel_loop3A_205 : i32 to index
        %parallel_loop3A_221 = arith.constant 16 : index
        %parallel_loop3A_222 = tpu.vector_load %arg16[%parallel_loop3A_220, %parallel_loop3A_221] {strides = array<i32>} : memref<128x128xf32, #tpu.memory_space<vmem>>, vector<16xf32>,
        %parallel_loop3A_223 = arith.mulf %parallel_loop3A_219, %parallel_loop3A_222 : vector<16xf32>
        %parallel_loop3A_224 = arith.index_cast %parallel_loop3A_205 : i32 to index
        %parallel_loop3A_225 = arith.constant 16 : index
        %parallel_loop3A_226 = tpu.vector_load %arg18[%parallel_loop3A_224, %parallel_loop3A_225] {strides = array<i32>} : memref<128x128xf32, #tpu.memory_space<vmem>>, vector<16xf32>,
        %parallel_loop3A_227 = arith.mulf %parallel_loop3A_223, %parallel_loop3A_226 : vector<16xf32>
        %parallel_loop3A_228 = arith.addf %parallel_loop3A_216, %parallel_loop3A_227 : vector<16xf32>
        %parallel_loop3A_229 = arith.index_cast %parallel_loop3A_205 : i32 to index
        %parallel_loop3A_230 = arith.constant 32 : index
        %parallel_loop3A_231 = tpu.vector_load %arg14[%parallel_loop3A_229, %parallel_loop3A_230] {strides = array<i32>} : memref<128x128xf32, #tpu.memory_space<vmem>>, vector<16xf32>,
        %parallel_loop3A_232 = arith.index_cast %parallel_loop3A_205 : i32 to index
        %parallel_loop3A_233 = arith.constant 32 : index
        %parallel_loop3A_234 = tpu.vector_load %arg16[%parallel_loop3A_232, %parallel_loop3A_233] {strides = array<i32>} : memref<128x128xf32, #tpu.memory_space<vmem>>, vector<16xf32>,
        %parallel_loop3A_235 = arith.mulf %parallel_loop3A_231, %parallel_loop3A_234 : vector<16xf32>
        %parallel_loop3A_236 = arith.index_cast %parallel_loop3A_205 : i32 to index
        %parallel_loop3A_237 = arith.constant 32 : index
        %parallel_loop3A_238 = tpu.vector_load %arg18[%parallel_loop3A_236, %parallel_loop3A_237] {strides = array<i32>} : memref<128x128xf32, #tpu.memory_space<vmem>>, vector<16xf32>,
        %parallel_loop3A_239 = arith.mulf %parallel_loop3A_235, %parallel_loop3A_238 : vector<16xf32>
        %parallel_loop3A_240 = arith.addf %parallel_loop3A_228, %parallel_loop3A_239 : vector<16xf32>
        %parallel_loop3A_241 = arith.index_cast %parallel_loop3A_205 : i32 to index
        %parallel_loop3A_242 = arith.constant 48 : index
        %parallel_loop3A_243 = tpu.vector_load %arg14[%parallel_loop3A_241, %parallel_loop3A_242] {strides = array<i32>} : memref<128x128xf32, #tpu.memory_space<vmem>>, vector<16xf32>,
        %parallel_loop3A_244 = arith.index_cast %parallel_loop3A_205 : i32 to index
        %parallel_loop3A_245 = arith.constant 48 : index
        %parallel_loop3A_246 = tpu.vector_load %arg16[%parallel_loop3A_244, %parallel_loop3A_245] {strides = array<i32>} : memref<128x128xf32, #tpu.memory_space<vmem>>, vector<16xf32>,
        %parallel_loop3A_247 = arith.mulf %parallel_loop3A_243, %parallel_loop3A_246 : vector<16xf32>
        %parallel_loop3A_248 = arith.index_cast %parallel_loop3A_205 : i32 to index
        %parallel_loop3A_249 = arith.constant 48 : index
        %parallel_loop3A_250 = tpu.vector_load %arg18[%parallel_loop3A_248, %parallel_loop3A_249] {strides = array<i32>} : memref<128x128xf32, #tpu.memory_space<vmem>>, vector<16xf32>,
        %parallel_loop3A_251 = arith.mulf %parallel_loop3A_247, %parallel_loop3A_250 : vector<16xf32>
        %parallel_loop3A_252 = arith.addf %parallel_loop3A_240, %parallel_loop3A_251 : vector<16xf32>
        %parallel_loop3A_253 = arith.index_cast %parallel_loop3A_205 : i32 to index
        %parallel_loop3A_254 = arith.constant 64 : index
        %parallel_loop3A_255 = tpu.vector_load %arg14[%parallel_loop3A_253, %parallel_loop3A_254] {strides = array<i32>} : memref<128x128xf32, #tpu.memory_space<vmem>>, vector<16xf32>,
        %parallel_loop3A_256 = arith.index_cast %parallel_loop3A_205 : i32 to index
        %parallel_loop3A_257 = arith.constant 64 : index
        %parallel_loop3A_258 = tpu.vector_load %arg16[%parallel_loop3A_256, %parallel_loop3A_257] {strides = array<i32>} : memref<128x128xf32, #tpu.memory_space<vmem>>, vector<16xf32>,
        %parallel_loop3A_259 = arith.mulf %parallel_loop3A_255, %parallel_loop3A_258 : vector<16xf32>
        %parallel_loop3A_260 = arith.index_cast %parallel_loop3A_205 : i32 to index
        %parallel_loop3A_261 = arith.constant 64 : index
        %parallel_loop3A_262 = tpu.vector_load %arg18[%parallel_loop3A_260, %parallel_loop3A_261] {strides = array<i32>} : memref<128x128xf32, #tpu.memory_space<vmem>>, vector<16xf32>,
        %parallel_loop3A_263 = arith.mulf %parallel_loop3A_259, %parallel_loop3A_262 : vector<16xf32>
        %parallel_loop3A_264 = arith.addf %parallel_loop3A_252, %parallel_loop3A_263 : vector<16xf32>
        %parallel_loop3A_265 = arith.index_cast %parallel_loop3A_205 : i32 to index
        %parallel_loop3A_266 = arith.constant 80 : index
        %parallel_loop3A_267 = tpu.vector_load %arg14[%parallel_loop3A_265, %parallel_loop3A_266] {strides = array<i32>} : memref<128x128xf32, #tpu.memory_space<vmem>>, vector<16xf32>,
        %parallel_loop3A_268 = arith.index_cast %parallel_loop3A_205 : i32 to index
        %parallel_loop3A_269 = arith.constant 80 : index
        %parallel_loop3A_270 = tpu.vector_load %arg16[%parallel_loop3A_268, %parallel_loop3A_269] {strides = array<i32>} : memref<128x128xf32, #tpu.memory_space<vmem>>, vector<16xf32>,
        %parallel_loop3A_271 = arith.mulf %parallel_loop3A_267, %parallel_loop3A_270 : vector<16xf32>
        %parallel_loop3A_272 = arith.index_cast %parallel_loop3A_205 : i32 to index
        %parallel_loop3A_273 = arith.constant 80 : index
        %parallel_loop3A_274 = tpu.vector_load %arg18[%parallel_loop3A_272, %parallel_loop3A_273] {strides = array<i32>} : memref<128x128xf32, #tpu.memory_space<vmem>>, vector<16xf32>,
        %parallel_loop3A_275 = arith.mulf %parallel_loop3A_271, %parallel_loop3A_274 : vector<16xf32>
        %parallel_loop3A_276 = arith.addf %parallel_loop3A_264, %parallel_loop3A_275 : vector<16xf32>
        %parallel_loop3A_277 = arith.index_cast %parallel_loop3A_205 : i32 to index
        %parallel_loop3A_278 = arith.constant 96 : index
        %parallel_loop3A_279 = tpu.vector_load %arg14[%parallel_loop3A_277, %parallel_loop3A_278] {strides = array<i32>} : memref<128x128xf32, #tpu.memory_space<vmem>>, vector<16xf32>,
        %parallel_loop3A_280 = arith.index_cast %parallel_loop3A_205 : i32 to index
        %parallel_loop3A_281 = arith.constant 96 : index
        %parallel_loop3A_282 = tpu.vector_load %arg16[%parallel_loop3A_280, %parallel_loop3A_281] {strides = array<i32>} : memref<128x128xf32, #tpu.memory_space<vmem>>, vector<16xf32>,
        %parallel_loop3A_283 = arith.mulf %parallel_loop3A_279, %parallel_loop3A_282 : vector<16xf32>
        %parallel_loop3A_284 = arith.index_cast %parallel_loop3A_205 : i32 to index
        %parallel_loop3A_285 = arith.constant 96 : index
        %parallel_loop3A_286 = tpu.vector_load %arg18[%parallel_loop3A_284, %parallel_loop3A_285] {strides = array<i32>} : memref<128x128xf32, #tpu.memory_space<vmem>>, vector<16xf32>,
        %parallel_loop3A_287 = arith.mulf %parallel_loop3A_283, %parallel_loop3A_286 : vector<16xf32>
        %parallel_loop3A_288 = arith.addf %parallel_loop3A_276, %parallel_loop3A_287 : vector<16xf32>
        %parallel_loop3A_289 = arith.index_cast %parallel_loop3A_205 : i32 to index
        %parallel_loop3A_290 = arith.constant 112 : index
        %parallel_loop3A_291 = tpu.vector_load %arg14[%parallel_loop3A_289, %parallel_loop3A_290] {strides = array<i32>} : memref<128x128xf32, #tpu.memory_space<vmem>>, vector<16xf32>,
        %parallel_loop3A_292 = arith.index_cast %parallel_loop3A_205 : i32 to index
        %parallel_loop3A_293 = arith.constant 112 : index
        %parallel_loop3A_294 = tpu.vector_load %arg16[%parallel_loop3A_292, %parallel_loop3A_293] {strides = array<i32>} : memref<128x128xf32, #tpu.memory_space<vmem>>, vector<16xf32>,
        %parallel_loop3A_295 = arith.mulf %parallel_loop3A_291, %parallel_loop3A_294 : vector<16xf32>
        %parallel_loop3A_296 = arith.index_cast %parallel_loop3A_205 : i32 to index
        %parallel_loop3A_297 = arith.constant 112 : index
        %parallel_loop3A_298 = tpu.vector_load %arg18[%parallel_loop3A_296, %parallel_loop3A_297] {strides = array<i32>} : memref<128x128xf32, #tpu.memory_space<vmem>>, vector<16xf32>,
        %parallel_loop3A_299 = arith.mulf %parallel_loop3A_295, %parallel_loop3A_298 : vector<16xf32>
        %parallel_loop3A_300 = arith.addf %parallel_loop3A_288, %parallel_loop3A_299 : vector<16xf32>
        %parallel_loop3A_301 = arith.constant true
        %parallel_loop3A_302 = vector.broadcast %parallel_loop3A_301 : i1 to vector<16xi1>
        %parallel_loop3A_303 = tpu.scan <sum>, %parallel_loop3A_300 masked %parallel_loop3A_302 : vector<16xf32>, vector<16xi1> -> vector<16xf32>
        %parallel_loop3A_304 = vector.shape_cast %broadcast_in_dim3A_71 : vector<16xi32> to vector<16x1xi32>
        %parallel_loop3A_305 = vector.shape_cast %parallel_loop3A_304 : vector<16x1xi32> to vector<16xi32>
        %parallel_loop3A_306 = tpu.dynamic_gather %parallel_loop3A_303[%parallel_loop3A_305] in [0] : vector<16xf32>, vector<16xi32> -> vector<16xf32>
        %parallel_loop3A_307 = vector.broadcast %parallel_loop3A_201 : i32 to vector<16xi32>
        %parallel_loop3A_308 = arith.cmpi eq, %iota3A, %parallel_loop3A_307 : vector<16xi32>
        %parallel_loop3A_309 = arith.select %parallel_loop3A_308, %parallel_loop3A_306, %parallel_loop3A_202 : vector<16xi1>, vector<16xf32>
        scf.yield %parallel_loop3A_309 : vector<16xf32>
      } {sc.loop_unroll_factor = 1 : i64, sc.parallel_access}
      %parallel_loop3A_193 = arith.constant 16 : i32
      %parallel_loop3A_194 = arith.muli %parallel_loop3A_188, %parallel_loop3A_193 : i32
      %parallel_loop3A_195 = arith.constant 384 : i32
      %parallel_loop3A_196 = arith.addi %parallel_loop3A_195, %parallel_loop3A_194 : i32
      %parallel_loop3A_197 = tpu.assume_multiple %parallel_loop3A_196, 16 : i32
      %parallel_loop3A_198 = arith.addf %parallel_loop3A_192, %gather3A : vector<16xf32>
      %parallel_loop3A_199 = arith.index_cast %parallel_loop3A_197 : i32 to index
      %parallel_loop3A_200 = tpu.vector_load %arg20[%parallel_loop3A_199] {strides = array<i32>} : memref<512xf32, #tpu.memory_space<vmem>>, vector<16xf32>,
      tpu.vector_store %arg20[%parallel_loop3A_199], %parallel_loop3A_198 {strides = array<i32>} : memref<512xf32, #tpu.memory_space<vmem>>, vector<16xf32>,
    } {sc.loop_unroll_factor = 1 : i64, sc.parallel_access}
    "tpu.region"() ({
      %run_scoped3A = tpu.sem_alloc : memref<!tpu.dma_semaphore, #tpu.memory_space<semaphore_mem>>
      %dma_start3A_188 = tpu.memref_slice %arg9[%mul3A_2] : memref<16384xf32, #tpu.memory_space<hbm>> -> memref<512xf32, #tpu.memory_space<hbm>>
      %dma_start3A_189 = tpu.memref_slice %arg9[%mul3A_2] : memref<16384xf32, #tpu.memory_space<hbm>> -> memref<512xf32, #tpu.memory_space<hbm>>
      tpu.enqueue_dma source(%arg20 : memref<512xf32, #tpu.memory_space<vmem>>) target(%dma_start3A_189 : memref<512xf32, #tpu.memory_space<hbm>>) target_semaphore(%run_scoped3A : memref<!tpu.dma_semaphore, #tpu.memory_space<semaphore_mem>>)
      %dma_wait3A_190 = tpu.memref_slice %arg9[%mul3A_2] : memref<16384xf32, #tpu.memory_space<hbm>> -> memref<512xf32, #tpu.memory_space<hbm>>
      %dma_wait3A_191 = tpu.memref_slice %arg9[%mul3A_2] : memref<16384xf32, #tpu.memory_space<hbm>> -> memref<512xf32, #tpu.memory_space<hbm>>
      tpu.wait_dma2 semaphore(%run_scoped3A : memref<!tpu.dma_semaphore, #tpu.memory_space<semaphore_mem>>) src(%arg20 : memref<512xf32, #tpu.memory_space<vmem>>) dst(%dma_wait3A_191 : memref<512xf32, #tpu.memory_space<hbm>>)
      tpu.yield
    }) : () -> ()
    return
  }
}

</mosaic_0001>

<sc_bundles>
// kernel: kernel.3.cloned.1.call-start
scs
__scs_entry_jumppad:
0x0: {  	(pc) =	sbr.rel $0x88, $3  }
0x1: {  	(tag) =	ssettag $0x0;
	lr =	simm.s32 $0x1  }
0x2: {  	[smem:$0x3F9A] =	sst lr;
	_ =	strace $0xD0000000  }
0x3: {  	_ = 	snop  }
0x4: {  	_ = 	snop  }
0x5: {  	_ = 	snop  }
0x6: {  	_ = 	snop  }
0x7: {  	_ = 	snop  }
__scs_overlays_trampoline_lowered:
0x8: {  	[smem:$0x3FA9] =	sst s0  }
0x9: {  	[smem:$0x3FAA] =	sst s1  }
0xa: {  	[smem:$0x3FAB] =	sst s2  }
0xb: {  	[smem:$0x3FAC] =	sst s3  }
0xc: {  	[smem:$0x3FAD] =	sst s4  }
0xd: {  	[smem:$0x3FAE] =	sst s5  }
0xe: {  	[smem:$0x3FAF] =	sst s6  }
0xf: {  	[smem:$0x3FB0] =	sst s7  }
0x10: {  	[smem:$0x3FB1] =	sst s8  }
0x11: {  	[smem:$0x3FB2] =	sst s9;
	s0 =	simm.s32 @!p0 $0x0  }
0x12: {  	s1 =	sld [smem:$0x3F98];
	s0 =	simm.s32 @p0 $0x1  }
0x13: {  	[smem:$0x3FB3] =	sst s0;
	s0 =	simm.s32 @!p1 $0x0  }
0x14: {  	s2 =	sld [smem:$0x3F97];
	s0 =	simm.s32 @p1 $0x1  }
0x15: {  	[smem:$0x3FB4] =	sst s0;
	s0 =	simm.s32 @!p2 $0x0  }
0x16: {  	s3 =	sld [smem:$0x3FDB];
	s0 =	simm.s32 @p2 $0x1  }
0x17: {  	s4 =	simm.s32 $0x1BF5;
	[smem:$0x3FB6] =	sst s0  }
0x18: {  	s0 =	sld [smem:$0x3F99];
	_ =	swait.ge [sflag:s4], $0x0  }
0x19: {  	s7 =	sld [smem:$0x3F9A]  }
0x1a: {  	s8 =	sadd.s32 $0xFFFFE003, lr  }
0x1b: {  	s9 =	sadd.s32 $0xFFFFFEF7, lr;
	s5 =	simm.s32 $0xFFFFFFFF;
	p2 =	slt.u32 s8, $0xFFFFF086  }
0x1c: {  	p1 =	slt.u32 s9, $0xF7A;
	s5 =	simm.s32 @!p2 $0x0  }
0x1d: {  	s5 =	simm.s32 @p1 $0x1;
	p0 =	seq.s32 s7, s2  }
0x1e: {  	s7 =	smul.u32 @!p0 $0xF7A, s2;
	p2 =	seq.s32 @!p0 s5, $0x0  }
0x1f: {  	s9 =	smul.u32 $0xF7A, s1;
	s8 =	simm.s32 @!p0 $0x1BF5;
	p2 =	por !p2, p0  }
0x20: {  	[sflag:s8] =	ssyncset.s32 @!p0 $0xFFFFF086;
	s6 =	sadd.s32 @!p0 s3, s7;
	s7 =	simm.s32 @!p0 $0x108  }
0x21: {  	s3 =	sadd.s32 s3, s9;
	s6 =	sadd.s32 @!p0 $0x88, s6;
	s7 =	simm.s32 @p2 $0x1082  }
0x22: {  	[simem:s7], [sflag:s8] =	dma.local @!p0 [hbm:s6], $0xF7A  }
0x23: {  	s9 =	sor.u32 $0xD0000000, s2;
	s6 =	simm.s32 $0x108;
	_ =	swait.ge @!p0 [sflag:s8], $0x0  }
0x24: {  	s3 =	sadd.s32 $0x88, s3;
	s6 =	simm.s32 @!p1 $0x1082;
	[sflag:s4] =	ssyncset.s32 $0xFFFFF086  }
0x25: {  	[simem:s6], [sflag:s4] =	dma.local [hbm:s3], $0xF7A  }
0x26: {  	[smem:$0x3F9A] =	sst s1;
	(tag) =	ssettag s2;
	_ =	strace s9  }
0x27: {  	s1 =	sld [smem:$0x3FAA]  }
0x28: {  	s2 =	sld [smem:$0x3FAB]  }
0x29: {  	s4 =	sld [smem:$0x3FAD]  }
0x2a: {  	p0 =	seq.s32 s5, $0x0;
	s5 =	sld [smem:$0x3FAE]  }
0x2b: {  	s6 =	sld [smem:$0x3FAF]  }
0x2c: {  	s7 =	sld [smem:$0x3FB0]  }
0x2d: {  	s3 =	simm.s32 $0x108;
	s8 =	sld [smem:$0x3FB1]  }
0x2e: {  	s3 =	simm.s32 @!p0 $0x1082;
	s9 =	sld [smem:$0x3FB2]  }
0x2f: {  	lr =	sadd.s32 s0, s3;
	s0 =	sld [smem:$0x3FA9]  }
0x30: {  	s3 =	sld [smem:$0x3FAC]  }
0x31: {  	[smem:$0x3FB5] =	sst s10  }
0x32: {  	s10 =	sld [smem:$0x3FB3];
	_ =	sdelay $0x3  }
0x33: {  	p0 =	seq.s32 s10, $0x1;
	s10 =	sld [smem:$0x3FB5];
	_ =	sdelay $0x3  }
0x34: {  	[smem:$0x3FB5] =	sst s10  }
0x35: {  	s10 =	sld [smem:$0x3FB4];
	_ =	sdelay $0x3  }
0x36: {  	p1 =	seq.s32 s10, $0x1;
	s10 =	sld [smem:$0x3FB5];
	_ =	sdelay $0x3  }
0x37: {  	[smem:$0x3FB5] =	sst s10  }
0x38: {  	s10 =	sld [smem:$0x3FB6]  }
0x39: {  	_ = 	snop;
	(pc) =	sbr.ind lr, $3  }
0x3a: {  	_ = 	snop  }
0x3b: {  	_ = 	snop  }
0x3c: {  	p2 =	seq.s32 s10, $0x1;
	s10 =	sld [smem:$0x3FB5]  }
0x3d: {  	_ =	shalt  }
0x3e: {  	_ =	shalt  }
0x3f: {  	_ =	shalt  }
0x40: {  	_ =	shalt  }
0x41: {  	_ =	shalt  }
0x42: {  	_ =	shalt  }
0x43: {  	_ =	shalt  }
0x44: {  	_ =	shalt  }
0x45: {  	_ =	shalt  }
0x46: {  	_ =	shalt  }
0x47: {  	_ =	shalt  }
0x48: {  	_ =	shalt  }
0x49: {  	_ =	shalt  }
0x4a: {  	_ =	shalt  }
0x4b: {  	_ =	shalt  }
0x4c: {  	_ =	shalt  }
0x4d: {  	_ =	shalt  }
0x4e: {  	_ =	shalt  }
0x4f: {  	_ =	shalt  }
0x50: {  	_ =	shalt  }
0x51: {  	_ =	shalt  }
0x52: {  	_ =	shalt  }
0x53: {  	_ =	shalt  }
0x54: {  	_ =	shalt  }
0x55: {  	_ =	shalt  }
0x56: {  	_ =	shalt  }
0x57: {  	_ =	shalt  }
0x58: {  	_ =	shalt  }
0x59: {  	_ =	shalt  }
0x5a: {  	_ =	shalt  }
0x5b: {  	_ =	shalt  }
0x5c: {  	_ =	shalt  }
0x5d: {  	_ =	shalt  }
0x5e: {  	_ =	shalt  }
0x5f: {  	_ =	shalt  }
0x60: {  	_ =	shalt  }
0x61: {  	_ =	shalt  }
0x62: {  	_ =	shalt  }
0x63: {  	_ =	shalt  }
0x64: {  	_ =	shalt  }
0x65: {  	_ =	shalt  }
0x66: {  	_ =	shalt  }
0x67: {  	_ =	shalt  }
0x68: {  	_ =	shalt  }
0x69: {  	_ =	shalt  }
0x6a: {  	_ =	shalt  }
0x6b: {  	_ =	shalt  }
0x6c: {  	_ =	shalt  }
0x6d: {  	_ =	shalt  }
0x6e: {  	_ =	shalt  }
0x6f: {  	_ =	shalt  }
0x70: {  	_ =	shalt  }
0x71: {  	_ =	shalt  }
0x72: {  	_ =	shalt  }
0x73: {  	_ =	shalt  }
0x74: {  	_ =	shalt  }
0x75: {  	_ =	shalt  }
0x76: {  	_ =	shalt  }
0x77: {  	_ =	shalt  }
0x78: {  	_ =	shalt  }
0x79: {  	_ =	shalt  }
0x7a: {  	_ =	shalt  }
0x7b: {  	_ =	shalt  }
0x7c: {  	_ =	shalt  }
0x7d: {  	_ =	shalt  }
0x7e: {  	_ =	shalt  }
0x7f: {  	_ =	shalt  }
0x80: {  	_ =	shalt  }
0x81: {  	_ =	shalt  }
0x82: {  	_ =	shalt  }
0x83: {  	_ =	shalt  }
0x84: {  	_ =	shalt  }
0x85: {  	_ =	shalt  }
0x86: {  	_ =	shalt  }
0x87: {  	_ =	shalt  }
.Lfunc_end0:
.L_simem_size_0:
called_computation_lowered:
.L_overlay_start_0:
0x88: {  	s2 =	sld [smem:$0x3FD9]  }
0x89: {  	s3 =	sld [smem:$0x3FFE];
	_ =	sdelay $0x1  }
0x8a: {  	s1 =	srdreg.scid  }
0x8b: {  	s0 =	sand.u32 $0x1, s1  }
0x8c: {  	s18 =	sshll.u32 s0, $0xA;
	s2 =	sadd.s32 s3, s2  }
0x8d: {  	s2 =	sadd.s32 s2, s18  }
0x8e: {  	[smem:$0x3FC1] =	sst s2  }
0x8f: {  	_ = 	snop  }
0x90: {  	s2 =	sld [smem:$0x3FC9]  }
0x91: {  	s19 =	sld [smem:$0x3FC8]  }
0x92: {  	s4 =	sld [smem:$0x3FC7]  }
0x93: {  	s5 =	sld [smem:$0x3FC6]  }
0x94: {  	s6 =	sld [smem:$0x3FC5]  }
0x95: {  	s7 =	sld [smem:$0x3FC4]  }
0x96: {  	s8 =	sld [smem:$0x3FC3]  }
0x97: {  	s9 =	sld [smem:$0x3FD0];
	(tm) =	ssettm $0x1  }
0x98: {  	s10 =	sld [smem:$0x3FFB];
	_ =	sdelay $0x3  }
0x99: {  	_ =	strace s10  }
0x9a: {  	s10 =	sld [smem:$0x3FFC];
	_ =	sdelay $0x3  }
0x9b: {  	_ =	strace s10  }
0x9c: {  	s10 =	sld [smem:$0x3FFD];
	_ =	sdelay $0x3  }
0x9d: {  	_ =	strace s10  }
0x9e: {  	_ =	strace $0x8FFFFFFF  }
0x9f: {  	s20 =	sld [smem:$0x3FDB];
	_ =	sdelay $0x1  }
0xa0: {  	s11 =	simm.s32 $_scs_section_size  }
0xa1: {  	s12 =	simm.s32 $_size__tile_overlayer_lowered;
	s13 =	simm.s32 $_tile_overlayer_lowered  }
0xa2: {  	s23 =	simm.s32 $0x1BFF;
	s22 =	sshll.u32 s13, $0x1;
	s10 =	sadd.s32 s11, s20  }
0xa3: {  	s14 =	simm.s32 $0x0;
	s21 =	sshll.u32 s12, $0x1;
	s12 =	sadd.s32 s22, s10  }
0xa4: {  	[timem:s14], [sflag:s23] =	dma.local [hbm:s12], s21  }
0xa5: {  	_ =	swait.ge [sflag:s23], s21  }
0xa6: {  	s11 =	ssub.s32 $0x0, s21;
	[sflag:s23] =	ssyncset.done $0x0  }
0xa7: {  	[sflag:s23] =	ssyncadd.s32 s11;
	_ =	sdelay $0x1  }
0xa8: {  	s24 =	simm.s32 $0x1B8B  }
0xa9: {  	_ =	swait.ge [sflag:s24], $0x1  }
0xaa: {  	[sflag:s24] =	ssyncset.done $0x0  }
0xab: {  	s25 =	simm.s32 $0x1B8E;
	[sflag:s24] =	ssyncadd.s32 $0xFFFFFFFF  }
0xac: {  	s26 =	simm.s32 $execute0_lowered;
	[smem:$0x3FD2] =	sst s25  }
0xad: {  	s11 =	sshll.u32 s26, $0x1;
	_ =	strace $0x80000046;
	[dreg:$0x1] =	wrdreg $0xFFFFFFFF  }
0xae: {  	s28 =	simm.s32 $_size_execute0_lowered;
	s10 =	sadd.s32 s10, s11;
	[dreg:$0x0] =	wrdreg $0x0  }
0xaf: {  	s11 =	sshll.u32 s28, $0x1;
	[dreg:$0x2] =	wrdreg s10  }
0xb0: {  	[dreg:$0x3] =	wrdreg s11  }
0xb1: {  	[dreg:$0x4] =	wrdreg $0xC0  }
0xb2: {  	_ =	task [dreg:s14], $0x5FFFF  }
0xb3: {  	[dreg:$0x1] =	wrdreg $0xFFFFFFFF  }
0xb4: {  	[dreg:$0x0] =	wrdreg $0x60  }
0xb5: {  	[dreg:$0x2] =	wrdreg s2  }
0xb6: {  	[dreg:$0x3] =	wrdreg s19  }
0xb7: {  	[dreg:$0x4] =	wrdreg s4  }
0xb8: {  	[dreg:$0x5] =	wrdreg s5  }
0xb9: {  	[dreg:$0x6] =	wrdreg s6  }
0xba: {  	[dreg:$0x7] =	wrdreg s7  }
0xbb: {  	[dreg:$0x8] =	wrdreg s8  }
0xbc: {  	[dreg:$0x9] =	wrdreg s9  }
0xbd: {  	[dreg:$0xa] =	wrdreg $0x189000  }
0xbe: {  	[dreg:$0xb] =	wrdreg $0x9  }
0xbf: {  	_ =	task.clear_ibuf [dreg:s14], $0xCFFFF;
	_ =	strace $0x90000046  }
0xc0: {  	s29 =	simm.s32 $0x9;
	_ =	strace $0x80000048  }
0xc1: {  	_ =	swait.ge [sflag:s29], $0x1  }
0xc2: {  	[sflag:s29] =	ssyncadd.s32 $0xFFFFFFFF  }
0xc3: {  	_ =	strace $0x90000048  }
0xc4: {  	_ =	sfence  }
0xc5: {  	s30 =	sld [smem:$0x0];
	_ =	sdelay $0x2  }
0xc6: {  	s31 =	sshll.u32 s1, $0xD;
	s1 =	sshrl.u32 s1, $0x2  }
0xc7: {  	s3 =	sand.u32 $0x4000, s31;
	s1 =	sadd.s32 s1, s30  }
0xc8: {  	s0 =	sor.u32 s3, s0;
	s1 =	sshll.u32 s1, $0x11  }
0xc9: {  	s0 =	sor.u32 s1, s0  }
0xca: {  	s0 =	sadd.s32 $0x8F2B, s0  }
0xcb: {  	[sflag:s0] =	ssyncadd.remote.s32 $0x1  }
0xcc: {  	_ =	sfence.sel $0xFFFF  }
0xcd: {  	[dreg:$0x0] =	wrdreg $0xFFFFFFFF;
	(pc) =	sbr.abs _section_cstart, $3  }
0xce: {  	[dreg:$0x1] =	wrdreg $0xFFFFFFFF  }
0xcf: {  	_ =	task.clear_ibuf [dreg:s14], $0x2FFFF;
	_ =	strace $0x9FFFFFFF  }
0xd0: {  	(tm) =	ssettm $0x7FFFFFFF  }
0xd1: {  	_ =	shalt  }
tec
execute0_lowered:
.L_overlay_start_1:
0x0: {  	(tag) =	ssettag $0x1  }
0x1: {  	s1 =	rddreg [dreg:$0x0]  }
0x2: {  	s2 =	rddreg [dreg:$0x1]  }
0x3: {  	s3 =	rddreg [dreg:$0x2]  }
0x4: {  	s0 =	rddreg [dreg:$0x3]  }
0x5: {  	s4 =	rddreg [dreg:$0x4]  }
0x6: {  	s7 =	rddreg [dreg:$0x7]  }
0x7: {  	s5 =	rddreg [dreg:$0x8];
	s6 =	srdreg.scid  }
0x8: {  	s13 =	stileid.u32;
	s20 =	simm.s32 $0x2;
	s21 =	simm.s32 $0x4  }
0x9: {  	s28 =	simm.s32 $0x14600;
	s29 =	simm.s32 $0x9;
	s30 =	simm.s32 $0x6  }
0xa: {  	s31 =	simm.s32 $0x10600;
	s19 =	simm.s32 $0xC600;
	s8 =	sand.u32 $0x1, s6  }
0xb: {  	s6 =	simm.s32 $0x0;
	s10 =	sshll.u32 s13, $0xA;
	s24 =	sshll.u32 s13, $0xD  }
0xc: {  	s25 =	sadd.s32 $0x3C00, s4;
	s26 =	sadd.s32 $0x1E000, s5;
	p0 =	seq.s32 s13, $0xF  }
0xd: {  	s9 =	sshll.u32 s8, $0x9;
	[smem:$0x7FF] =	sst s6;
	s23 =	sadd.s32 s4, s10  }
0xe: {  	s8 =	ssub.s32 $0x2, s8;
	_ =	strace $0x80000047;
	[dreg:$0xc] =	wrdreg s23  }
0xf: {  	s4 =	simm.s32 $0x3;
	s9 =	sor.u32 s9, s10;
	[dreg:$0xe] =	wrdreg s25  }
0x10: {  	s11 =	sshrl.u32 s8, $0x1;
	[dreg:$0xf] =	wrdreg s26;
	s25 =	simm.s32 $0x7  }
0x11: {  	s26 =	simm.s32 $0x8;
	s10 =	simm.s32 $0x0;
	s12 =	sshrl.u32 s9, $0x3  }
0x12: {  	s8 =	ssub.s32 s8, s11;
	s1 =	sadd.s32 s1, s12;
	s22 =	sadd.s32 s3, s12  }
0x13: {  	s9 =	sadd.s32 s2, s12;
	s14 =	sadd.s32 s7, s12;
	s15 =	smax.u32 s8, $0x1  }
0x14: {  	s12 =	simm.s32 $0x400;
	s2 =	simm.s32 $0x5;
	[dreg:$0xa] =	wrdreg s1  }
0x15: {  	s3 =	simm.s32 $0x4600;
	[dreg:$0xb] =	wrdreg s22;
	s1 =	sadd.s32 s24, s5  }
0x16: {  	v0 =	vimm.s32 $0x80;
	v1 =	vimm.s32 $0xF;
	v2 =	vlaneseq.u32;
	s22 =	simm.s32 $0x80;
	[dreg:$0xd] =	wrdreg s1;
	s1 =	simm.s32 $0x1  }
.LBB2_1:
0x17: {  	s7 =	rddreg [dreg:$0xa]  }
0x18: {  	[tilespmem:s6], [sflag:$0x2] =	stream.linear.gather [hbm4b:s7+s6], $0x200, $0x38;
	[tilespmem:$0x1A840] =	vst v63  }
0x19: {  	s16 =	rddreg [dreg:$0xb];
	s8 =	simm.s32 $0x200  }
0x1a: {  	[tilespmem:s8], [sflag:$0x4] =	stream.linear.gather [hbm4b:s16+s6], $0x200, $0x38;
	[tilespmem:$0x1A840] =	vst v63  }
0x1b: {  	_ = 	snop  }
0x1c: {  	[tilespmem:s12], [sflag:$0x6] =	stream.linear.gather [hbm4b:s9+s6], $0x200, $0x38;
	[tilespmem:$0x1A840] =	vst v63  }
0x1d: {  	s17 =	rddreg [dreg:$0x5];
	s11 =	simm.s32 $0x18600  }
0x1e: {  	[tilespmem:s11], [sflag:$0x7] =	stream.linear.gather [hbm4b:s17+s6], $0x80, $0x38;
	[tilespmem:$0x1A840] =	vst v63  }
0x1f: {  	s18 =	rddreg [dreg:$0x6];
	s13 =	simm.s32 $0x18680  }
0x20: {  	[tilespmem:s13], [sflag:$0x8] =	stream.linear.gather [hbm4b:s18+s6], $0x1, $0x38;
	[tilespmem:$0x1A840] =	vst v63  }
0x21: {  	_ =	swait.ge [sflag:s20], $0x200  }
0x22: {  	[sflag:s20] =	ssyncset.done $0x0  }
0x23: {  	[sflag:s20] =	ssyncadd.s32 $0xFFFFFE00  }
0x24: {  	_ =	swait.ge [sflag:s21], $0x200  }
0x25: {  	[sflag:s21] =	ssyncset.done $0x0  }
0x26: {  	s23 =	simm.s32 $0x600;
	[sflag:s21] =	ssyncadd.s32 $0xFFFFFE00  }
0x27: {  	[tilespmem:s23], [sflag:$0x1] =	stream.indirect.gather [hbm4b:s0+s22], $0x80, s6, s22, $0xb8;
	[tilespmem:$0x1A840] =	vst v63  }
0x28: {  	s24 =	simm.s32 $0x8600  }
0x29: {  	[tilespmem:s24], [sflag:$0x3] =	stream.indirect.gather [hbm4b:s0+s22], $0x80, s8, s22, $0xb8;
	[tilespmem:$0x1A840] =	vst v63  }
0x2a: {  	_ =	swait.ge [sflag:s25], $0x80  }
0x2b: {  	[sflag:s25] =	ssyncset.done $0x0  }
0x2c: {  	[sflag:s25] =	ssyncadd.s32 $0xFFFFFF80  }
0x2d: {  	_ =	swait.ge [sflag:s26], $0x1  }
0x2e: {  	[sflag:s26] =	ssyncset.done $0x0  }
0x2f: {  	[sflag:s26] =	ssyncadd.s32 $0xFFFFFFFF  }
0x30: {  	v8 =	vld [tilespmem:$0x18600]  }
0x31: {  	v9 =	vld [tilespmem:$0x18610]  }
0x32: {  	v10 =	vld [tilespmem:$0x18620]  }
0x33: {  	v11 =	vld [tilespmem:$0x18630]  }
.Ltmp0:
0x34: {  	v7 =	vld [tilespmem:$0x18640];
	(pc) =	sbr.rel @!p0 .LBB2_2-.Ltmp0, $4  }
0x35: {  	v6 =	vld [tilespmem:$0x18650]  }
0x36: {  	v5 =	vld [tilespmem:$0x18660]  }
0x37: {  	v4 =	vld [tilespmem:$0x18670]  }
0x38: {  	v3 =	vld.idx.msk [tilespmem:v0+s11+$0x0], $0xffff  }
0x39: {  	s7 =	rddreg [dreg:$0xe]  }
0x3a: {  	[tilespmem:s28], [sflag:$0x9] =	stream.linear.gather [hbm4b:s7+s6], $0x1400, $0x38;
	[tilespmem:$0x1A840] =	vst v63  }
0x3b: {  	_ =	swait.ge [sflag:s29], $0x1400  }
0x3c: {  	[sflag:s29] =	ssyncset.done $0x0  }
0x3d: {  	s11 =	simm.s32 $0x14680;
	[sflag:s29] =	ssyncadd.s32 $0xFFFFEC00  }
0x3e: {  	v12 =	vld [tilespmem:s11+$0xFFFFFF80]  }
0x3f: {  	v13 =	vld [tilespmem:s11+$0xFFFFFF90]  }
0x40: {  	v14 =	vld [tilespmem:s11+$0xFFFFFFA0]  }
0x41: {  	v15 =	vld [tilespmem:s11+$0xFFFFFFB0]  }
0x42: {  	v16 =	vld [tilespmem:s11+$0xFFFFFFC0]  }
0x43: {  	v17 =	vld [tilespmem:s11+$0xFFFFFFD0];
	v12 =	vmul.f32 v12, v8  }
0x44: {  	v18 =	vld [tilespmem:s11+$0xFFFFFFE0];
	v13 =	vmul.f32 v13, v9  }
0x45: {  	[tilespmem:s11+$0xFFFFFF80] =	vst v12;
	v12 =	vmul.f32 v14, v10;
	v14 =	vld [tilespmem:s11+$0x0]  }
0x46: {  	[tilespmem:s11+$0xFFFFFF90] =	vst v13;
	v13 =	vmul.f32 v15, v11;
	v15 =	vld [tilespmem:s11+$0x10]  }
0x47: {  	[tilespmem:s11+$0xFFFFFFA0] =	vst v12;
	v12 =	vmul.f32 v16, v7;
	v16 =	vld [tilespmem:s11+$0x20]  }
0x48: {  	v19 =	vld [tilespmem:s11+$0x30];
	[tilespmem:s11+$0xFFFFFFB0] =	vst v13;
	v13 =	vmul.f32 v17, v6  }
0x49: {  	v17 =	vmul.f32 v18, v5;
	[tilespmem:s11+$0xFFFFFFC0] =	vst v12;
	v12 =	vld [tilespmem:s11+$0x40]  }
0x4a: {  	[tilespmem:s11+$0xFFFFFFD0] =	vst v13;
	v13 =	vld [tilespmem:s11+$0x50];
	v14 =	vmul.f32 v14, v8  }
0x4b: {  	[tilespmem:s11+$0xFFFFFFE0] =	vst v17;
	v18 =	vmul.f32 v15, v9;
	v15 =	vld [tilespmem:s11+$0x60]  }
0x4c: {  	[tilespmem:s11+$0x0] =	vst v14;
	v17 =	vmul.f32 v16, v10;
	v16 =	vld [tilespmem:s11+$0x70]  }
0x4d: {  	s8 =	simm.s32 $0x14780;
	s7 =	simm.s32 $0x0;
	v14 =	vld [tilespmem:s11+$0xFFFFFFF0];
	[tilespmem:s11+$0x10] =	vst v18;
	v18 =	vmul.f32 v19, v11  }
.LBB2_6:
0x4e: {  	v19 =	vld [tilespmem:s8+$0xFFFFFF80];
	[tilespmem:s11+$0x20] =	vst v17;
	v12 =	vmul.f32 v12, v7  }
0x4f: {  	v17 =	vld [tilespmem:s8+$0xFFFFFF90];
	[tilespmem:s11+$0x30] =	vst v18;
	v13 =	vmul.f32 v13, v6  }
0x50: {  	v18 =	vld [tilespmem:s8+$0xFFFFFFA0];
	[tilespmem:s11+$0x40] =	vst v12;
	v12 =	vmul.f32 v15, v5  }
0x51: {  	v15 =	vld [tilespmem:s8+$0xFFFFFFB0];
	[tilespmem:s11+$0x50] =	vst v13;
	v13 =	vmul.f32 v16, v4  }
0x52: {  	v16 =	vld [tilespmem:s8+$0xFFFFFFC0];
	v14 =	vmul.f32 v14, v4;
	[tilespmem:s11+$0x60] =	vst v12  }
0x53: {  	v12 =	vmul.f32 v19, v8;
	v19 =	vld [tilespmem:s8+$0xFFFFFFD0];
	[tilespmem:s11+$0x70] =	vst v13  }
0x54: {  	v13 =	vmul.f32 v17, v9;
	v17 =	vld [tilespmem:s8+$0xFFFFFFE0];
	[tilespmem:s11+$0xFFFFFFF0] =	vst v14;
	s11 =	smov.u32 s8  }
0x55: {  	[tilespmem:s8+$0xFFFFFF80] =	vst v12;
	v12 =	vmul.f32 v18, v10;
	v14 =	vld [tilespmem:s8+$0x0]  }
0x56: {  	[tilespmem:s8+$0xFFFFFF90] =	vst v13;
	v13 =	vmul.f32 v15, v11;
	v15 =	vld [tilespmem:s8+$0x10]  }
0x57: {  	s7 =	sadd.s32 $0x2, s7;
	[tilespmem:s8+$0xFFFFFFA0] =	vst v12;
	v12 =	vmul.f32 v16, v7;
	v16 =	vld [tilespmem:s8+$0x20]  }
0x58: {  	p1 =	slt.u32 s7, $0x26;
	[tilespmem:s8+$0xFFFFFFB0] =	vst v13;
	v13 =	vmul.f32 v19, v6;
	v18 =	vld [tilespmem:s8+$0x30]  }
.Ltmp1:
0x59: {  	[tilespmem:s8+$0xFFFFFFC0] =	vst v12;
	v17 =	vmul.f32 v17, v5;
	v12 =	vld [tilespmem:s8+$0x40];
	(pc) =	sbr.rel @p1 .LBB2_6-.Ltmp1, $4  }
0x5a: {  	[tilespmem:s8+$0xFFFFFFD0] =	vst v13;
	v14 =	vmul.f32 v14, v8;
	v13 =	vld [tilespmem:s8+$0x50]  }
0x5b: {  	[tilespmem:s8+$0xFFFFFFE0] =	vst v17;
	v19 =	vmul.f32 v15, v9;
	v15 =	vld [tilespmem:s8+$0x60]  }
0x5c: {  	[tilespmem:s8+$0x0] =	vst v14;
	v17 =	vmul.f32 v16, v10;
	v16 =	vld [tilespmem:s8+$0x70]  }
0x5d: {  	s8 =	sadd.s32 $0x100, s8;
	v14 =	vld [tilespmem:s11+$0xFFFFFFF0];
	[tilespmem:s11+$0x10] =	vst v19;
	v18 =	vmul.f32 v18, v11  }
0x5e: {  	[tilespmem:s11+$0x20] =	vst v17;
	v7 =	vmul.f32 v12, v7  }
0x5f: {  	[tilespmem:s11+$0x30] =	vst v18;
	v6 =	vmul.f32 v13, v6  }
0x60: {  	[tilespmem:s11+$0x40] =	vst v7;
	v5 =	vmul.f32 v15, v5  }
0x61: {  	[tilespmem:s11+$0x50] =	vst v6;
	v63 =	vmul.f32 v16, v4  }
0x62: {  	v4 =	vmul.f32 v14, v4;
	[tilespmem:s11+$0x60] =	vst v5  }
0x63: {  	[tilespmem:s11+$0x70] =	vst v63  }
.Ltmp2:
0x64: {  	s7 =	rddreg [dreg:$0xf];
	[tilespmem:s11+$0xFFFFFFF0] =	vst v4;
	(pc) =	sbr.rel .LBB2_8-.Ltmp2, $4  }
0x65: {  	[spmem:s7] =	stream.linear.scatter [tilespmem:s28], [sflag:$0x9], $0x1400, $0x38;
	[tilespmem:$0x1A840] =	vst v63  }
0x66: {  	_ =	swait.ge [sflag:s29], $0x1400  }
0x67: {  	[sflag:s29] =	ssyncset.done $0x0  }
0x68: {  	[sflag:s29] =	ssyncadd.s32 $0xFFFFEC00  }
.LBB2_2:
0x69: {  	s7 =	rddreg [dreg:$0xc]  }
0x6a: {  	[tilespmem:s28], [sflag:$0x9] =	stream.linear.gather [hbm4b:s7+s6], $0x2000, $0x38;
	[tilespmem:$0x1A840] =	vst v63  }
0x6b: {  	_ =	swait.ge [sflag:s29], $0x2000  }
0x6c: {  	[sflag:s29] =	ssyncset.done $0x0  }
0x6d: {  	s11 =	simm.s32 $0x14680;
	[sflag:s29] =	ssyncadd.s32 $0xFFFFE000  }
0x6e: {  	v12 =	vld [tilespmem:s11+$0xFFFFFF80]  }
0x6f: {  	v13 =	vld [tilespmem:s11+$0xFFFFFF90]  }
0x70: {  	v14 =	vld [tilespmem:s11+$0xFFFFFFA0]  }
0x71: {  	v15 =	vld [tilespmem:s11+$0xFFFFFFB0]  }
0x72: {  	v16 =	vld [tilespmem:s11+$0xFFFFFFC0]  }
0x73: {  	v17 =	vld [tilespmem:s11+$0xFFFFFFD0];
	v12 =	vmul.f32 v12, v8  }
0x74: {  	v18 =	vld [tilespmem:s11+$0xFFFFFFE0];
	v13 =	vmul.f32 v13, v9  }
0x75: {  	[tilespmem:s11+$0xFFFFFF80] =	vst v12;
	v12 =	vmul.f32 v14, v10;
	v14 =	vld [tilespmem:s11+$0x0]  }
0x76: {  	[tilespmem:s11+$0xFFFFFF90] =	vst v13;
	v13 =	vmul.f32 v15, v11;
	v15 =	vld [tilespmem:s11+$0x10]  }
0x77: {  	[tilespmem:s11+$0xFFFFFFA0] =	vst v12;
	v12 =	vmul.f32 v16, v7;
	v16 =	vld [tilespmem:s11+$0x20]  }
0x78: {  	v19 =	vld [tilespmem:s11+$0x30];
	[tilespmem:s11+$0xFFFFFFB0] =	vst v13;
	v13 =	vmul.f32 v17, v6  }
0x79: {  	v17 =	vmul.f32 v18, v5;
	[tilespmem:s11+$0xFFFFFFC0] =	vst v12;
	v12 =	vld [tilespmem:s11+$0x40]  }
0x7a: {  	[tilespmem:s11+$0xFFFFFFD0] =	vst v13;
	v13 =	vld [tilespmem:s11+$0x50];
	v14 =	vmul.f32 v14, v8  }
0x7b: {  	[tilespmem:s11+$0xFFFFFFE0] =	vst v17;
	v18 =	vmul.f32 v15, v9;
	v15 =	vld [tilespmem:s11+$0x60]  }
0x7c: {  	[tilespmem:s11+$0x0] =	vst v14;
	v17 =	vmul.f32 v16, v10;
	v16 =	vld [tilespmem:s11+$0x70]  }
0x7d: {  	s8 =	simm.s32 $0x14780;
	s7 =	simm.s32 $0x0;
	v14 =	vld [tilespmem:s11+$0xFFFFFFF0];
	[tilespmem:s11+$0x10] =	vst v18;
	v18 =	vmul.f32 v19, v11  }
.LBB2_3:
0x7e: {  	v19 =	vld [tilespmem:s8+$0xFFFFFF80];
	[tilespmem:s11+$0x20] =	vst v17;
	v12 =	vmul.f32 v12, v7  }
0x7f: {  	v17 =	vld [tilespmem:s8+$0xFFFFFF90];
	[tilespmem:s11+$0x30] =	vst v18;
	v13 =	vmul.f32 v13, v6  }
0x80: {  	v18 =	vld [tilespmem:s8+$0xFFFFFFA0];
	[tilespmem:s11+$0x40] =	vst v12;
	v12 =	vmul.f32 v15, v5  }
0x81: {  	v15 =	vld [tilespmem:s8+$0xFFFFFFB0];
	[tilespmem:s11+$0x50] =	vst v13;
	v13 =	vmul.f32 v16, v4  }
0x82: {  	v16 =	vld [tilespmem:s8+$0xFFFFFFC0];
	v14 =	vmul.f32 v14, v4;
	[tilespmem:s11+$0x60] =	vst v12  }
0x83: {  	v12 =	vmul.f32 v19, v8;
	v19 =	vld [tilespmem:s8+$0xFFFFFFD0];
	[tilespmem:s11+$0x70] =	vst v13  }
0x84: {  	v13 =	vmul.f32 v17, v9;
	v17 =	vld [tilespmem:s8+$0xFFFFFFE0];
	[tilespmem:s11+$0xFFFFFFF0] =	vst v14;
	s11 =	smov.u32 s8  }
0x85: {  	[tilespmem:s8+$0xFFFFFF80] =	vst v12;
	v12 =	vmul.f32 v18, v10;
	v14 =	vld [tilespmem:s8+$0x0]  }
0x86: {  	[tilespmem:s8+$0xFFFFFF90] =	vst v13;
	v13 =	vmul.f32 v15, v11;
	v15 =	vld [tilespmem:s8+$0x10]  }
0x87: {  	s7 =	sadd.s32 $0x2, s7;
	[tilespmem:s8+$0xFFFFFFA0] =	vst v12;
	v12 =	vmul.f32 v16, v7;
	v16 =	vld [tilespmem:s8+$0x20]  }
0x88: {  	p1 =	slt.u32 s7, $0x3E;
	[tilespmem:s8+$0xFFFFFFB0] =	vst v13;
	v13 =	vmul.f32 v19, v6;
	v18 =	vld [tilespmem:s8+$0x30]  }
.Ltmp3:
0x89: {  	[tilespmem:s8+$0xFFFFFFC0] =	vst v12;
	v17 =	vmul.f32 v17, v5;
	v12 =	vld [tilespmem:s8+$0x40];
	(pc) =	sbr.rel @p1 .LBB2_3-.Ltmp3, $4  }
0x8a: {  	[tilespmem:s8+$0xFFFFFFD0] =	vst v13;
	v14 =	vmul.f32 v14, v8;
	v13 =	vld [tilespmem:s8+$0x50]  }
0x8b: {  	[tilespmem:s8+$0xFFFFFFE0] =	vst v17;
	v19 =	vmul.f32 v15, v9;
	v15 =	vld [tilespmem:s8+$0x60]  }
0x8c: {  	[tilespmem:s8+$0x0] =	vst v14;
	v17 =	vmul.f32 v16, v10;
	v16 =	vld [tilespmem:s8+$0x70]  }
0x8d: {  	s8 =	sadd.s32 $0x100, s8;
	v14 =	vld [tilespmem:s11+$0xFFFFFFF0];
	[tilespmem:s11+$0x10] =	vst v19;
	v18 =	vmul.f32 v18, v11  }
0x8e: {  	[tilespmem:s11+$0x20] =	vst v17;
	v7 =	vmul.f32 v12, v7  }
0x8f: {  	[tilespmem:s11+$0x30] =	vst v18;
	v6 =	vmul.f32 v13, v6  }
0x90: {  	[tilespmem:s11+$0x40] =	vst v7;
	v5 =	vmul.f32 v15, v5  }
0x91: {  	[tilespmem:s11+$0x50] =	vst v6;
	v63 =	vmul.f32 v16, v4  }
0x92: {  	v4 =	vmul.f32 v14, v4;
	[tilespmem:s11+$0x60] =	vst v5  }
0x93: {  	[tilespmem:s11+$0x70] =	vst v63  }
0x94: {  	s7 =	rddreg [dreg:$0xd];
	[tilespmem:s11+$0xFFFFFFF0] =	vst v4  }
0x95: {  	[spmem:s7] =	stream.linear.scatter [tilespmem:s28], [sflag:$0x9], $0x2000, $0x38;
	[tilespmem:$0x1A840] =	vst v63  }
0x96: {  	_ =	swait.ge [sflag:s29], $0x2000  }
0x97: {  	[sflag:s29] =	ssyncset.done $0x0  }
0x98: {  	[sflag:s29] =	ssyncadd.s32 $0xFFFFE000  }
.LBB2_8:
0x99: {  	[bflag:$0x0] =	sbarrier.arrive $0xFFFF  }
0x9a: {  	_ =	swait.ge [sflag:s30], $0x200  }
0x9b: {  	[sflag:s30] =	ssyncset.done $0x0  }
0x9c: {  	[sflag:s30] =	ssyncadd.s32 $0xFFFFFE00  }
0x9d: {  	[tilespmem:s31], [sflag:$0x5] =	stream.indirect.gather [spmem:s5], $0x80, s12, s22, $0xb8;
	[tilespmem:$0x1A840] =	vst v63  }
0x9e: {  	_ =	swait.ge [sflag:s1], $0x4000  }
0x9f: {  	[sflag:s1] =	ssyncset.done $0x0  }
0xa0: {  	[sflag:s1] =	ssyncadd.s32 $0xFFFFC000  }
0xa1: {  	_ =	swait.ge [sflag:s4], $0x4000  }
0xa2: {  	[sflag:s4] =	ssyncset.done $0x0  }
0xa3: {  	[sflag:s4] =	ssyncadd.s32 $0xFFFFC000  }
0xa4: {  	_ =	swait.ge [sflag:s2], $0x4000  }
0xa5: {  	[sflag:s2] =	ssyncset.done $0x0  }
0xa6: {  	[sflag:s2] =	ssyncadd.s32 $0xFFFFC000  }
0xa7: {  	[tilespmem:s3], [sflag:$0x2] =	stream.indirect.gather [hbm4b:s0+s22], $0x80, s22, s22, $0xb8;
	[tilespmem:$0x1A840] =	vst v63  }
0xa8: {  	s7 =	simm.s32 $0x280;
	s24 =	simm.s32 $0x480;
	s11 =	simm.s32 $0x0  }
0xa9: {  	[tilespmem:s19], [sflag:$0x4] =	stream.indirect.gather [hbm4b:s0+s22], $0x80, s7, s22, $0xb8;
	[tilespmem:$0x1A840] =	vst v63  }
0xaa: {  	s13 =	simm.s32 $0x8640;
	s16 =	simm.s32 $0x10640;
	s12 =	simm.s32 $0x640  }
0xab: {  	[tilespmem:s28], [sflag:$0x6] =	stream.indirect.gather [spmem:s5], $0x80, s24, s22, $0xb8;
	[tilespmem:$0x1A840] =	vst v63  }
.LBB2_9:
0xac: {  	v5 =	vld [tilespmem:s16+$0x20]  }
0xad: {  	v7 =	vld [tilespmem:s16+$0x10]  }
0xae: {  	v4 =	vld [tilespmem:s16+$0x0]  }
0xaf: {  	v6 =	vld [tilespmem:s16+$0xFFFFFFF0]  }
0xb0: {  	v8 =	vld [tilespmem:s16+$0xFFFFFFE0]  }
0xb1: {  	v9 =	vld [tilespmem:s16+$0xFFFFFFC0]  }
0xb2: {  	v10 =	vld [tilespmem:s12+$0xFFFFFFE0]  }
0xb3: {  	v11 =	vld [tilespmem:s12+$0xFFFFFFC0]  }
0xb4: {  	v12 =	vld [tilespmem:s13+$0xFFFFFFC0]  }
0xb5: {  	v13 =	vld [tilespmem:s12+$0xFFFFFFD0]  }
0xb6: {  	v14 =	vld [tilespmem:s13+$0xFFFFFFD0]  }
0xb7: {  	v15 =	vld [tilespmem:s13+$0xFFFFFFE0]  }
0xb8: {  	v16 =	vld [tilespmem:s16+$0xFFFFFFD0]  }
0xb9: {  	v17 =	vld [tilespmem:s12+$0xFFFFFFF0]  }
0xba: {  	v18 =	vld [tilespmem:s13+$0xFFFFFFF0]  }
0xbb: {  	v19 =	vld [tilespmem:s12+$0x0];
	v11 =	vmul.f32 v12, v11;
	v12 =	vmul.f32 v14, v13  }
0xbc: {  	v13 =	vld [tilespmem:s13+$0x0];
	v10 =	vmul.f32 v15, v10  }
0xbd: {  	v14 =	vld [tilespmem:s12+$0x10];
	v9 =	vmul.f32 v9, v11;
	v11 =	vmul.f32 v16, v12  }
0xbe: {  	v12 =	vld [tilespmem:s13+$0x10]  }
0xbf: {  	v15 =	vld [tilespmem:s12+$0x20];
	v8 =	vmul.f32 v8, v10;
	v10 =	vmul.f32 v18, v17;
	v9 =	vadd.f32 v11, v9  }
0xc0: {  	v11 =	vld [tilespmem:s13+$0x20]  }
0xc1: {  	v16 =	vld [tilespmem:s12+$0x30];
	v6 =	vmul.f32 v6, v10;
	v8 =	vadd.f32 v8, v9;
	v9 =	vmul.f32 v13, v19  }
0xc2: {  	v10 =	vld [tilespmem:s13+$0x30]  }
0xc3: {  	s24 =	sadd.s32 $0x80, s12;
	v13 =	vld [tilespmem:s16+$0x30];
	v12 =	vmul.f32 v12, v14;
	v8 =	vadd.f32 v6, v8;
	v9 =	vmul.f32 v4, v9  }
0xc4: {  	s17 =	sadd.s32 $0x80, s16;
	v14 =	vld [tilespmem:s24+$0xFFFFFFD0]  }
0xc5: {  	v6 =	vld [tilespmem:s17+$0x20];
	v12 =	vmul.f32 v7, v12;
	v11 =	vmul.f32 v11, v15;
	v9 =	vadd.f32 v9, v8  }
0xc6: {  	v4 =	vld [tilespmem:s17+$0x10]  }
0xc7: {  	v7 =	vld [tilespmem:s17+$0x0];
	v5 =	vmul.f32 v5, v11;
	v11 =	vmul.f32 v10, v16;
	v12 =	vadd.f32 v12, v9  }
0xc8: {  	v8 =	vld [tilespmem:s17+$0xFFFFFFF0]  }
0xc9: {  	v10 =	vld [tilespmem:s17+$0xFFFFFFC0];
	v13 =	vmul.f32 v13, v11;
	v5 =	vadd.f32 v5, v12  }
0xca: {  	v9 =	vld [tilespmem:s17+$0xFFFFFFE0]  }
0xcb: {  	v11 =	vld [tilespmem:s24+$0xFFFFFFE0];
	v15 =	vadd.f32 v13, v5  }
0xcc: {  	s7 =	sadd.s32 $0x80, s13;
	v12 =	vld [tilespmem:s24+$0xFFFFFFC0]  }
0xcd: {  	v13 =	vld [tilespmem:s7+$0xFFFFFFC0];
	(xrf2) =	vadd.scan.msk.f32 $0xffff, v15  }
0xce: {  	s18 =	simm.s32 $0x1;
	s8 =	simm.s32 $0x2;
	s23 =	simm.s32 $0x0;
	v5 =	vimm.f32 $0.0e+00;
	v15 =	vld [tilespmem:s7+$0xFFFFFFD0]  }
.LBB2_10:
0xcf: {  	p1 =	sne.s32 s8, $0xF;
	v16 =	vld [tilespmem:s7+$0xFFFFFFE0]  }
0xd0: {  	v17 =	vld [tilespmem:s17+$0xFFFFFFD0]  }
0xd1: {  	v18 =	vld [tilespmem:s24+$0xFFFFFFF0]  }
0xd2: {  	v19 =	vld [tilespmem:s7+$0xFFFFFFF0]  }
0xd3: {  	v12 =	vmul.f32 v13, v12;
	v13 =	vmul.f32 v15, v14;
	v14 =	vld [tilespmem:s24+$0x0]  }
0xd4: {  	v11 =	vmul.f32 v16, v11;
	v15 =	vld [tilespmem:s7+$0x0]  }
0xd5: {  	v10 =	vmul.f32 v10, v12;
	v12 =	vmul.f32 v17, v13;
	v13 =	vld [tilespmem:s24+$0x10]  }
0xd6: {  	v17 =	vmov s23;
	s23 =	smov.u32 s18;
	s18 =	smov.u32 s8;
	v16 =	vld [tilespmem:s7+$0x10]  }
0xd7: {  	v9 =	vmul.f32 v9, v11;
	v10 =	vadd.f32 v12, v10;
	v11 =	vmul.f32 v19, v18;
	v12 =	vld [tilespmem:s24+$0x20];
	v18, _, _ =	vpop (xrf2)  }
0xd8: {  	vm0 =	veq.s32 v17, v2;
	v19 =	vld [tilespmem:s7+$0x20];
	v18 =	vperm.xlane v18, v1  }
0xd9: {  	v9 =	vadd.f32 v9, v10;
	v8 =	vmul.f32 v8, v11;
	v10 =	vmul.f32 v15, v14;
	v11 =	vld [tilespmem:s24+$0x30]  }
0xda: {  	v14 =	vld [tilespmem:s7+$0x30];
	v5 =	vsel vm0, v18, v5  }
0xdb: {  	v8 =	vadd.f32 v8, v9;
	v7 =	vmul.f32 v7, v10;
	v9 =	vmul.f32 v16, v13;
	v13 =	vld [tilespmem:s17+$0x30];
	s17 =	sadd.s32 $0x80, s17  }
0xdc: {  	v15 =	vld [tilespmem:s17+$0x20]  }
0xdd: {  	v10 =	vadd.f32 v7, v8;
	v9 =	vmul.f32 v4, v9;
	v4 =	vld [tilespmem:s17+$0x10];
	v12 =	vmul.f32 v19, v12  }
0xde: {  	v7 =	vld [tilespmem:s17+$0x0]  }
0xdf: {  	v8 =	vld [tilespmem:s17+$0xFFFFFFF0];
	v16 =	vadd.f32 v9, v10;
	v12 =	vmul.f32 v6, v12;
	v11 =	vmul.f32 v14, v11  }
0xe0: {  	v9 =	vld [tilespmem:s17+$0xFFFFFFE0]  }
0xe1: {  	s24 =	sadd.s32 $0x80, s24;
	v10 =	vld [tilespmem:s17+$0xFFFFFFC0];
	v14 =	vadd.f32 v12, v16;
	v13 =	vmul.f32 v13, v11;
	v6 =	vmov v15  }
.Ltmp4:
0xe2: {  	v11 =	vld [tilespmem:s24+$0xFFFFFFE0];
	(pc) =	sbr.rel @p1 .LBB2_10-.Ltmp4, $4  }
0xe3: {  	s7 =	sadd.s32 $0x80, s7;
	v12 =	vld [tilespmem:s24+$0xFFFFFFC0];
	v15 =	vadd.f32 v13, v14  }
0xe4: {  	v13 =	vld [tilespmem:s7+$0xFFFFFFC0]  }
0xe5: {  	v14 =	vld [tilespmem:s24+$0xFFFFFFD0];
	(xrf2) =	vadd.scan.msk.f32 $0xffff, v15  }
0xe6: {  	s8 =	sadd.s32 $0x1, s8;
	v15 =	vld [tilespmem:s7+$0xFFFFFFD0]  }
0xe7: {  	v16 =	vld [tilespmem:s7+$0xFFFFFFE0]  }
0xe8: {  	v17 =	vld [tilespmem:s17+$0xFFFFFFD0]  }
0xe9: {  	v18 =	vld [tilespmem:s24+$0xFFFFFFF0]  }
0xea: {  	v19 =	vld [tilespmem:s7+$0xFFFFFFF0];
	v12 =	vmul.f32 v13, v12  }
0xeb: {  	v45 =	vld [tilespmem:s24+$0x0];
	v44 =	vmul.f32 v15, v14  }
0xec: {  	v46 =	vld [tilespmem:s7+$0x0];
	v10 =	vmul.f32 v10, v12  }
0xed: {  	v48 =	vld [tilespmem:s24+$0x10];
	v11 =	vmul.f32 v16, v11;
	v47 =	vmul.f32 v17, v44  }
0xee: {  	v49 =	vld [tilespmem:s7+$0x10]  }
0xef: {  	v51 =	vld [tilespmem:s24+$0x20];
	v50 =	vmul.f32 v19, v18;
	v9 =	vmul.f32 v9, v11;
	v10 =	vadd.f32 v47, v10  }
0xf0: {  	v52 =	vld [tilespmem:s7+$0x20]  }
0xf1: {  	v54 =	vld [tilespmem:s24+$0x30];
	v53 =	vmul.f32 v46, v45;
	v8 =	vmul.f32 v8, v50;
	v9 =	vadd.f32 v9, v10  }
0xf2: {  	v55 =	vld [tilespmem:s7+$0x30]  }
0xf3: {  	v56 =	vmul.f32 v49, v48;
	v7 =	vmul.f32 v7, v53;
	v8 =	vadd.f32 v8, v9  }
0xf4: {  	v57 =	vld [tilespmem:s17+$0x30]  }
0xf5: {  	v58 =	vmul.f32 v52, v51;
	v4 =	vmul.f32 v4, v56;
	v7 =	vadd.f32 v7, v8;
	_ =	sdelay $0x1  }
0xf6: {  	v59 =	vmul.f32 v55, v54;
	v6 =	vmul.f32 v6, v58;
	v4 =	vadd.f32 v4, v7;
	_ =	sdelay $0x1  }
0xf7: {  	v60 =	vmul.f32 v57, v59;
	v4 =	vadd.f32 v6, v4;
	_ =	sdelay $0x1  }
0xf8: {  	v4 =	vadd.f32 v60, v4;
	_ =	sdelay $0x1  }
0xf9: {  	(xrf2) =	vadd.scan.msk.f32 $0xffff, v4;
	_ =	sdelay $0x8  }
0xfa: {  	v4, _, _ =	vpop (xrf2)  }
0xfb: {  	v61 =	vmov s23;
	s24 =	sshll.u32 s11, $0x4;
	s11 =	sadd.s32 $0x1, s11;
	v4 =	vperm.xlane v4, v1;
	v62, _, _ =	vpop (xrf2)  }
0xfc: {  	v63 =	vmov s18;
	vm0 =	veq.s32 v61, v2;
	p1 =	sne.s32 s11, $0x8;
	v7 =	vperm.xlane v62, v1  }
.Ltmp5:
0xfd: {  	vm15 =	veq.s32 v63, v2;
	v4 =	vsel vm0, v4, v5;
	(pc) =	sbr.rel @p1 .LBB2_9-.Ltmp5, $4  }
0xfe: {  	v4 =	vsel vm15, v7, v4  }
0xff: {  	v4 =	vadd.f32 v4, v3  }
0x100: {  	s7 =	sand.u32 $0x3FFFFFF0, s24  }
0x101: {  	s12 =	sadd.s32 $0x800, s12;
	s13 =	sadd.s32 $0x800, s13;
	s16 =	sadd.s32 $0x800, s16;
	[tilespmem:s7+$0x18700] =	vst v4  }
0x102: {  	_ =	swait.ge [sflag:s20], $0x4000  }
0x103: {  	[sflag:s20] =	ssyncset.done $0x0  }
0x104: {  	[sflag:s20] =	ssyncadd.s32 $0xFFFFC000  }
0x105: {  	_ =	swait.ge [sflag:s21], $0x4000  }
0x106: {  	[sflag:s21] =	ssyncset.done $0x0  }
0x107: {  	[sflag:s21] =	ssyncadd.s32 $0xFFFFC000  }
0x108: {  	_ =	swait.ge [sflag:s30], $0x4000  }
0x109: {  	s7 =	simm.s32 $0x600;
	[sflag:s30] =	ssyncset.done $0x0  }
0x10a: {  	s8 =	simm.s32 $0x100;
	s18 =	simm.s32 $0x8600;
	[sflag:s30] =	ssyncadd.s32 $0xFFFFC000  }
0x10b: {  	[tilespmem:s7], [sflag:$0x1] =	stream.indirect.gather [hbm4b:s0+s22], $0x80, s8, s22, $0xb8;
	[tilespmem:$0x1A840] =	vst v63  }
0x10c: {  	s23 =	simm.s32 $0x300;
	s24 =	simm.s32 $0x500;
	s11 =	simm.s32 $0x0  }
0x10d: {  	[tilespmem:s18], [sflag:$0x3] =	stream.indirect.gather [hbm4b:s0+s22], $0x80, s23, s22, $0xb8;
	[tilespmem:$0x1A840] =	vst v63  }
0x10e: {  	s12 =	simm.s32 $0x4640;
	s13 =	simm.s32 $0xC640;
	s16 =	simm.s32 $0x14640  }
0x10f: {  	[tilespmem:s31], [sflag:$0x5] =	stream.indirect.gather [spmem:s5], $0x80, s24, s22, $0xb8;
	[tilespmem:$0x1A840] =	vst v63  }
.LBB2_13:
0x110: {  	v5 =	vld [tilespmem:s16+$0x20]  }
0x111: {  	v7 =	vld [tilespmem:s16+$0x10]  }
0x112: {  	v4 =	vld [tilespmem:s16+$0x0]  }
0x113: {  	v6 =	vld [tilespmem:s16+$0xFFFFFFF0]  }
0x114: {  	v8 =	vld [tilespmem:s16+$0xFFFFFFE0]  }
0x115: {  	v9 =	vld [tilespmem:s16+$0xFFFFFFC0]  }
0x116: {  	v10 =	vld [tilespmem:s12+$0xFFFFFFE0]  }
0x117: {  	v11 =	vld [tilespmem:s12+$0xFFFFFFC0]  }
0x118: {  	v12 =	vld [tilespmem:s13+$0xFFFFFFC0]  }
0x119: {  	v13 =	vld [tilespmem:s12+$0xFFFFFFD0]  }
0x11a: {  	v14 =	vld [tilespmem:s13+$0xFFFFFFD0]  }
0x11b: {  	v15 =	vld [tilespmem:s13+$0xFFFFFFE0]  }
0x11c: {  	v16 =	vld [tilespmem:s16+$0xFFFFFFD0]  }
0x11d: {  	v17 =	vld [tilespmem:s12+$0xFFFFFFF0]  }
0x11e: {  	v18 =	vld [tilespmem:s13+$0xFFFFFFF0]  }
0x11f: {  	v19 =	vld [tilespmem:s12+$0x0];
	v11 =	vmul.f32 v12, v11;
	v12 =	vmul.f32 v14, v13  }
0x120: {  	v13 =	vld [tilespmem:s13+$0x0];
	v10 =	vmul.f32 v15, v10  }
0x121: {  	v14 =	vld [tilespmem:s12+$0x10];
	v9 =	vmul.f32 v9, v11;
	v11 =	vmul.f32 v16, v12  }
0x122: {  	v12 =	vld [tilespmem:s13+$0x10]  }
0x123: {  	v15 =	vld [tilespmem:s12+$0x20];
	v8 =	vmul.f32 v8, v10;
	v10 =	vmul.f32 v18, v17;
	v9 =	vadd.f32 v11, v9  }
0x124: {  	v11 =	vld [tilespmem:s13+$0x20]  }
0x125: {  	v16 =	vld [tilespmem:s12+$0x30];
	v6 =	vmul.f32 v6, v10;
	v8 =	vadd.f32 v8, v9;
	v9 =	vmul.f32 v13, v19  }
0x126: {  	v10 =	vld [tilespmem:s13+$0x30]  }
0x127: {  	s24 =	sadd.s32 $0x80, s12;
	v13 =	vld [tilespmem:s16+$0x30];
	v12 =	vmul.f32 v12, v14;
	v8 =	vadd.f32 v6, v8;
	v9 =	vmul.f32 v4, v9  }
0x128: {  	s17 =	sadd.s32 $0x80, s16;
	v14 =	vld [tilespmem:s24+$0xFFFFFFD0]  }
0x129: {  	v6 =	vld [tilespmem:s17+$0x20];
	v12 =	vmul.f32 v7, v12;
	v11 =	vmul.f32 v11, v15;
	v9 =	vadd.f32 v9, v8  }
0x12a: {  	v4 =	vld [tilespmem:s17+$0x10]  }
0x12b: {  	v7 =	vld [tilespmem:s17+$0x0];
	v5 =	vmul.f32 v5, v11;
	v11 =	vmul.f32 v10, v16;
	v12 =	vadd.f32 v12, v9  }
0x12c: {  	v8 =	vld [tilespmem:s17+$0xFFFFFFF0]  }
0x12d: {  	v10 =	vld [tilespmem:s17+$0xFFFFFFC0];
	v13 =	vmul.f32 v13, v11;
	v5 =	vadd.f32 v5, v12  }
0x12e: {  	v9 =	vld [tilespmem:s17+$0xFFFFFFE0]  }
0x12f: {  	v11 =	vld [tilespmem:s24+$0xFFFFFFE0];
	v15 =	vadd.f32 v13, v5  }
0x130: {  	s7 =	sadd.s32 $0x80, s13;
	v12 =	vld [tilespmem:s24+$0xFFFFFFC0]  }
0x131: {  	v13 =	vld [tilespmem:s7+$0xFFFFFFC0];
	(xrf2) =	vadd.scan.msk.f32 $0xffff, v15  }
0x132: {  	s18 =	simm.s32 $0x1;
	s8 =	simm.s32 $0x2;
	s23 =	simm.s32 $0x0;
	v5 =	vimm.f32 $0.0e+00;
	v15 =	vld [tilespmem:s7+$0xFFFFFFD0]  }
.LBB2_14:
0x133: {  	p1 =	sne.s32 s8, $0xF;
	v16 =	vld [tilespmem:s7+$0xFFFFFFE0]  }
0x134: {  	v17 =	vld [tilespmem:s17+$0xFFFFFFD0]  }
0x135: {  	v18 =	vld [tilespmem:s24+$0xFFFFFFF0]  }
0x136: {  	v19 =	vld [tilespmem:s7+$0xFFFFFFF0]  }
0x137: {  	v12 =	vmul.f32 v13, v12;
	v13 =	vmul.f32 v15, v14;
	v14 =	vld [tilespmem:s24+$0x0]  }
0x138: {  	v11 =	vmul.f32 v16, v11;
	v15 =	vld [tilespmem:s7+$0x0]  }
0x139: {  	v10 =	vmul.f32 v10, v12;
	v12 =	vmul.f32 v17, v13;
	v13 =	vld [tilespmem:s24+$0x10]  }
0x13a: {  	v17 =	vmov s23;
	s23 =	smov.u32 s18;
	s18 =	smov.u32 s8;
	v16 =	vld [tilespmem:s7+$0x10]  }
0x13b: {  	v9 =	vmul.f32 v9, v11;
	v10 =	vadd.f32 v12, v10;
	v11 =	vmul.f32 v19, v18;
	v12 =	vld [tilespmem:s24+$0x20];
	v18, _, _ =	vpop (xrf2)  }
0x13c: {  	vm0 =	veq.s32 v17, v2;
	v19 =	vld [tilespmem:s7+$0x20];
	v18 =	vperm.xlane v18, v1  }
0x13d: {  	v9 =	vadd.f32 v9, v10;
	v8 =	vmul.f32 v8, v11;
	v10 =	vmul.f32 v15, v14;
	v11 =	vld [tilespmem:s24+$0x30]  }
0x13e: {  	v14 =	vld [tilespmem:s7+$0x30];
	v5 =	vsel vm0, v18, v5  }
0x13f: {  	v8 =	vadd.f32 v8, v9;
	v7 =	vmul.f32 v7, v10;
	v9 =	vmul.f32 v16, v13;
	v13 =	vld [tilespmem:s17+$0x30];
	s17 =	sadd.s32 $0x80, s17  }
0x140: {  	v15 =	vld [tilespmem:s17+$0x20]  }
0x141: {  	v10 =	vadd.f32 v7, v8;
	v9 =	vmul.f32 v4, v9;
	v4 =	vld [tilespmem:s17+$0x10];
	v12 =	vmul.f32 v19, v12  }
0x142: {  	v7 =	vld [tilespmem:s17+$0x0]  }
0x143: {  	v8 =	vld [tilespmem:s17+$0xFFFFFFF0];
	v16 =	vadd.f32 v9, v10;
	v12 =	vmul.f32 v6, v12;
	v11 =	vmul.f32 v14, v11  }
0x144: {  	v9 =	vld [tilespmem:s17+$0xFFFFFFE0]  }
0x145: {  	s24 =	sadd.s32 $0x80, s24;
	v10 =	vld [tilespmem:s17+$0xFFFFFFC0];
	v14 =	vadd.f32 v12, v16;
	v13 =	vmul.f32 v13, v11;
	v6 =	vmov v15  }
.Ltmp6:
0x146: {  	v11 =	vld [tilespmem:s24+$0xFFFFFFE0];
	(pc) =	sbr.rel @p1 .LBB2_14-.Ltmp6, $4  }
0x147: {  	s7 =	sadd.s32 $0x80, s7;
	v12 =	vld [tilespmem:s24+$0xFFFFFFC0];
	v15 =	vadd.f32 v13, v14  }
0x148: {  	v13 =	vld [tilespmem:s7+$0xFFFFFFC0]  }
0x149: {  	v14 =	vld [tilespmem:s24+$0xFFFFFFD0];
	(xrf2) =	vadd.scan.msk.f32 $0xffff, v15  }
0x14a: {  	s8 =	sadd.s32 $0x1, s8;
	v15 =	vld [tilespmem:s7+$0xFFFFFFD0]  }
0x14b: {  	v16 =	vld [tilespmem:s7+$0xFFFFFFE0]  }
0x14c: {  	v17 =	vld [tilespmem:s17+$0xFFFFFFD0]  }
0x14d: {  	v18 =	vld [tilespmem:s24+$0xFFFFFFF0]  }
0x14e: {  	v19 =	vld [tilespmem:s7+$0xFFFFFFF0];
	v12 =	vmul.f32 v13, v12  }
0x14f: {  	v45 =	vld [tilespmem:s24+$0x0];
	v44 =	vmul.f32 v15, v14  }
0x150: {  	v46 =	vld [tilespmem:s7+$0x0];
	v10 =	vmul.f32 v10, v12  }
0x151: {  	v48 =	vld [tilespmem:s24+$0x10];
	v11 =	vmul.f32 v16, v11;
	v47 =	vmul.f32 v17, v44  }
0x152: {  	v49 =	vld [tilespmem:s7+$0x10]  }
0x153: {  	v51 =	vld [tilespmem:s24+$0x20];
	v50 =	vmul.f32 v19, v18;
	v9 =	vmul.f32 v9, v11;
	v10 =	vadd.f32 v47, v10  }
0x154: {  	v52 =	vld [tilespmem:s7+$0x20]  }
0x155: {  	v54 =	vld [tilespmem:s24+$0x30];
	v53 =	vmul.f32 v46, v45;
	v8 =	vmul.f32 v8, v50;
	v9 =	vadd.f32 v9, v10  }
0x156: {  	v55 =	vld [tilespmem:s7+$0x30]  }
0x157: {  	v56 =	vmul.f32 v49, v48;
	v7 =	vmul.f32 v7, v53;
	v8 =	vadd.f32 v8, v9  }
0x158: {  	v57 =	vld [tilespmem:s17+$0x30]  }
0x159: {  	v58 =	vmul.f32 v52, v51;
	v4 =	vmul.f32 v4, v56;
	v7 =	vadd.f32 v7, v8;
	_ =	sdelay $0x1  }
0x15a: {  	v59 =	vmul.f32 v55, v54;
	v6 =	vmul.f32 v6, v58;
	v4 =	vadd.f32 v4, v7;
	_ =	sdelay $0x1  }
0x15b: {  	v60 =	vmul.f32 v57, v59;
	v4 =	vadd.f32 v6, v4;
	_ =	sdelay $0x1  }
0x15c: {  	v4 =	vadd.f32 v60, v4;
	_ =	sdelay $0x1  }
0x15d: {  	(xrf2) =	vadd.scan.msk.f32 $0xffff, v4;
	_ =	sdelay $0x8  }
0x15e: {  	v4, _, _ =	vpop (xrf2)  }
0x15f: {  	v61 =	vmov s23;
	s24 =	sshll.u32 s11, $0x4;
	s11 =	sadd.s32 $0x1, s11;
	v4 =	vperm.xlane v4, v1;
	v62, _, _ =	vpop (xrf2)  }
0x160: {  	v63 =	vmov s18;
	vm0 =	veq.s32 v61, v2;
	p1 =	sne.s32 s11, $0x8;
	v7 =	vperm.xlane v62, v1  }
.Ltmp7:
0x161: {  	vm15 =	veq.s32 v63, v2;
	v4 =	vsel vm0, v4, v5;
	(pc) =	sbr.rel @p1 .LBB2_13-.Ltmp7, $4  }
0x162: {  	v4 =	vsel vm15, v7, v4  }
0x163: {  	v4 =	vadd.f32 v4, v3  }
0x164: {  	s7 =	sand.u32 $0x3FFFFFF0, s24  }
0x165: {  	s12 =	sadd.s32 $0x800, s12;
	s13 =	sadd.s32 $0x800, s13;
	s16 =	sadd.s32 $0x800, s16;
	[tilespmem:s7+$0x18780] =	vst v4  }
0x166: {  	_ =	swait.ge [sflag:s1], $0x4000  }
0x167: {  	[sflag:s1] =	ssyncset.done $0x0  }
0x168: {  	[sflag:s1] =	ssyncadd.s32 $0xFFFFC000  }
0x169: {  	_ =	swait.ge [sflag:s4], $0x4000  }
0x16a: {  	[sflag:s4] =	ssyncset.done $0x0  }
0x16b: {  	[sflag:s4] =	ssyncadd.s32 $0xFFFFC000  }
0x16c: {  	_ =	swait.ge [sflag:s2], $0x4000  }
0x16d: {  	[sflag:s2] =	ssyncset.done $0x0  }
0x16e: {  	s7 =	simm.s32 $0x180;
	[sflag:s2] =	ssyncadd.s32 $0xFFFFC000  }
0x16f: {  	[tilespmem:s3], [sflag:$0x2] =	stream.indirect.gather [hbm4b:s0+s22], $0x80, s7, s22, $0xb8;
	[tilespmem:$0x1A840] =	vst v63  }
0x170: {  	s23 =	simm.s32 $0x380;
	s24 =	simm.s32 $0x580;
	s11 =	simm.s32 $0x0  }
0x171: {  	[tilespmem:s19], [sflag:$0x4] =	stream.indirect.gather [hbm4b:s0+s22], $0x80, s23, s22, $0xb8;
	[tilespmem:$0x1A840] =	vst v63  }
0x172: {  	s12 =	simm.s32 $0x640;
	s13 =	simm.s32 $0x8640;
	s16 =	simm.s32 $0x10640  }
0x173: {  	[tilespmem:s28], [sflag:$0x6] =	stream.indirect.gather [spmem:s5], $0x80, s24, s22, $0xb8;
	[tilespmem:$0x1A840] =	vst v63  }
.LBB2_17:
0x174: {  	v5 =	vld [tilespmem:s16+$0x20]  }
0x175: {  	v7 =	vld [tilespmem:s16+$0x10]  }
0x176: {  	v4 =	vld [tilespmem:s16+$0x0]  }
0x177: {  	v6 =	vld [tilespmem:s16+$0xFFFFFFF0]  }
0x178: {  	v8 =	vld [tilespmem:s16+$0xFFFFFFE0]  }
0x179: {  	v9 =	vld [tilespmem:s16+$0xFFFFFFC0]  }
0x17a: {  	v10 =	vld [tilespmem:s12+$0xFFFFFFE0]  }
0x17b: {  	v11 =	vld [tilespmem:s12+$0xFFFFFFC0]  }
0x17c: {  	v12 =	vld [tilespmem:s13+$0xFFFFFFC0]  }
0x17d: {  	v13 =	vld [tilespmem:s12+$0xFFFFFFD0]  }
0x17e: {  	v14 =	vld [tilespmem:s13+$0xFFFFFFD0]  }
0x17f: {  	v15 =	vld [tilespmem:s13+$0xFFFFFFE0]  }
0x180: {  	v16 =	vld [tilespmem:s16+$0xFFFFFFD0]  }
0x181: {  	v17 =	vld [tilespmem:s12+$0xFFFFFFF0]  }
0x182: {  	v18 =	vld [tilespmem:s13+$0xFFFFFFF0]  }
0x183: {  	v19 =	vld [tilespmem:s12+$0x0];
	v11 =	vmul.f32 v12, v11;
	v12 =	vmul.f32 v14, v13  }
0x184: {  	v13 =	vld [tilespmem:s13+$0x0];
	v10 =	vmul.f32 v15, v10  }
0x185: {  	v14 =	vld [tilespmem:s12+$0x10];
	v9 =	vmul.f32 v9, v11;
	v11 =	vmul.f32 v16, v12  }
0x186: {  	v12 =	vld [tilespmem:s13+$0x10]  }
0x187: {  	v15 =	vld [tilespmem:s12+$0x20];
	v8 =	vmul.f32 v8, v10;
	v10 =	vmul.f32 v18, v17;
	v9 =	vadd.f32 v11, v9  }
0x188: {  	v11 =	vld [tilespmem:s13+$0x20]  }
0x189: {  	v16 =	vld [tilespmem:s12+$0x30];
	v6 =	vmul.f32 v6, v10;
	v8 =	vadd.f32 v8, v9;
	v9 =	vmul.f32 v13, v19  }
0x18a: {  	v10 =	vld [tilespmem:s13+$0x30]  }
0x18b: {  	s24 =	sadd.s32 $0x80, s12;
	v13 =	vld [tilespmem:s16+$0x30];
	v12 =	vmul.f32 v12, v14;
	v8 =	vadd.f32 v6, v8;
	v9 =	vmul.f32 v4, v9  }
0x18c: {  	s17 =	sadd.s32 $0x80, s16;
	v14 =	vld [tilespmem:s24+$0xFFFFFFD0]  }
0x18d: {  	v6 =	vld [tilespmem:s17+$0x20];
	v12 =	vmul.f32 v7, v12;
	v11 =	vmul.f32 v11, v15;
	v9 =	vadd.f32 v9, v8  }
0x18e: {  	v4 =	vld [tilespmem:s17+$0x10]  }
0x18f: {  	v7 =	vld [tilespmem:s17+$0x0];
	v5 =	vmul.f32 v5, v11;
	v11 =	vmul.f32 v10, v16;
	v12 =	vadd.f32 v12, v9  }
0x190: {  	v8 =	vld [tilespmem:s17+$0xFFFFFFF0]  }
0x191: {  	v10 =	vld [tilespmem:s17+$0xFFFFFFC0];
	v13 =	vmul.f32 v13, v11;
	v5 =	vadd.f32 v5, v12  }
0x192: {  	v9 =	vld [tilespmem:s17+$0xFFFFFFE0]  }
0x193: {  	v11 =	vld [tilespmem:s24+$0xFFFFFFE0];
	v15 =	vadd.f32 v13, v5  }
0x194: {  	s7 =	sadd.s32 $0x80, s13;
	v12 =	vld [tilespmem:s24+$0xFFFFFFC0]  }
0x195: {  	v13 =	vld [tilespmem:s7+$0xFFFFFFC0];
	(xrf2) =	vadd.scan.msk.f32 $0xffff, v15  }
0x196: {  	s18 =	simm.s32 $0x1;
	s8 =	simm.s32 $0x2;
	s23 =	simm.s32 $0x0;
	v5 =	vimm.f32 $0.0e+00;
	v15 =	vld [tilespmem:s7+$0xFFFFFFD0]  }
.LBB2_18:
0x197: {  	p1 =	sne.s32 s8, $0xF;
	v16 =	vld [tilespmem:s7+$0xFFFFFFE0]  }
0x198: {  	v17 =	vld [tilespmem:s17+$0xFFFFFFD0]  }
0x199: {  	v18 =	vld [tilespmem:s24+$0xFFFFFFF0]  }
0x19a: {  	v19 =	vld [tilespmem:s7+$0xFFFFFFF0]  }
0x19b: {  	v12 =	vmul.f32 v13, v12;
	v13 =	vmul.f32 v15, v14;
	v14 =	vld [tilespmem:s24+$0x0]  }
0x19c: {  	v11 =	vmul.f32 v16, v11;
	v15 =	vld [tilespmem:s7+$0x0]  }
0x19d: {  	v10 =	vmul.f32 v10, v12;
	v12 =	vmul.f32 v17, v13;
	v13 =	vld [tilespmem:s24+$0x10]  }
0x19e: {  	v17 =	vmov s23;
	s23 =	smov.u32 s18;
	s18 =	smov.u32 s8;
	v16 =	vld [tilespmem:s7+$0x10]  }
0x19f: {  	v9 =	vmul.f32 v9, v11;
	v10 =	vadd.f32 v12, v10;
	v11 =	vmul.f32 v19, v18;
	v12 =	vld [tilespmem:s24+$0x20];
	v18, _, _ =	vpop (xrf2)  }
0x1a0: {  	vm0 =	veq.s32 v17, v2;
	v19 =	vld [tilespmem:s7+$0x20];
	v18 =	vperm.xlane v18, v1  }
0x1a1: {  	v9 =	vadd.f32 v9, v10;
	v8 =	vmul.f32 v8, v11;
	v10 =	vmul.f32 v15, v14;
	v11 =	vld [tilespmem:s24+$0x30]  }
0x1a2: {  	v14 =	vld [tilespmem:s7+$0x30];
	v5 =	vsel vm0, v18, v5  }
0x1a3: {  	v8 =	vadd.f32 v8, v9;
	v7 =	vmul.f32 v7, v10;
	v9 =	vmul.f32 v16, v13;
	v13 =	vld [tilespmem:s17+$0x30];
	s17 =	sadd.s32 $0x80, s17  }
0x1a4: {  	v15 =	vld [tilespmem:s17+$0x20]  }
0x1a5: {  	v10 =	vadd.f32 v7, v8;
	v9 =	vmul.f32 v4, v9;
	v4 =	vld [tilespmem:s17+$0x10];
	v12 =	vmul.f32 v19, v12  }
0x1a6: {  	v7 =	vld [tilespmem:s17+$0x0]  }
0x1a7: {  	v8 =	vld [tilespmem:s17+$0xFFFFFFF0];
	v16 =	vadd.f32 v9, v10;
	v12 =	vmul.f32 v6, v12;
	v11 =	vmul.f32 v14, v11  }
0x1a8: {  	v9 =	vld [tilespmem:s17+$0xFFFFFFE0]  }
0x1a9: {  	s24 =	sadd.s32 $0x80, s24;
	v10 =	vld [tilespmem:s17+$0xFFFFFFC0];
	v14 =	vadd.f32 v12, v16;
	v13 =	vmul.f32 v13, v11;
	v6 =	vmov v15  }
.Ltmp8:
0x1aa: {  	v11 =	vld [tilespmem:s24+$0xFFFFFFE0];
	(pc) =	sbr.rel @p1 .LBB2_18-.Ltmp8, $4  }
0x1ab: {  	s7 =	sadd.s32 $0x80, s7;
	v12 =	vld [tilespmem:s24+$0xFFFFFFC0];
	v15 =	vadd.f32 v13, v14  }
0x1ac: {  	v13 =	vld [tilespmem:s7+$0xFFFFFFC0]  }
0x1ad: {  	v14 =	vld [tilespmem:s24+$0xFFFFFFD0];
	(xrf2) =	vadd.scan.msk.f32 $0xffff, v15  }
0x1ae: {  	s8 =	sadd.s32 $0x1, s8;
	v15 =	vld [tilespmem:s7+$0xFFFFFFD0]  }
0x1af: {  	v16 =	vld [tilespmem:s7+$0xFFFFFFE0]  }
0x1b0: {  	v17 =	vld [tilespmem:s17+$0xFFFFFFD0]  }
0x1b1: {  	v18 =	vld [tilespmem:s24+$0xFFFFFFF0]  }
0x1b2: {  	v19 =	vld [tilespmem:s7+$0xFFFFFFF0];
	v12 =	vmul.f32 v13, v12  }
0x1b3: {  	v45 =	vld [tilespmem:s24+$0x0];
	v44 =	vmul.f32 v15, v14  }
0x1b4: {  	v46 =	vld [tilespmem:s7+$0x0];
	v10 =	vmul.f32 v10, v12  }
0x1b5: {  	v48 =	vld [tilespmem:s24+$0x10];
	v11 =	vmul.f32 v16, v11;
	v47 =	vmul.f32 v17, v44  }
0x1b6: {  	v49 =	vld [tilespmem:s7+$0x10]  }
0x1b7: {  	v51 =	vld [tilespmem:s24+$0x20];
	v50 =	vmul.f32 v19, v18;
	v9 =	vmul.f32 v9, v11;
	v10 =	vadd.f32 v47, v10  }
0x1b8: {  	v52 =	vld [tilespmem:s7+$0x20]  }
0x1b9: {  	v54 =	vld [tilespmem:s24+$0x30];
	v53 =	vmul.f32 v46, v45;
	v8 =	vmul.f32 v8, v50;
	v9 =	vadd.f32 v9, v10  }
0x1ba: {  	v55 =	vld [tilespmem:s7+$0x30]  }
0x1bb: {  	v56 =	vmul.f32 v49, v48;
	v7 =	vmul.f32 v7, v53;
	v8 =	vadd.f32 v8, v9  }
0x1bc: {  	v57 =	vld [tilespmem:s17+$0x30]  }
0x1bd: {  	v58 =	vmul.f32 v52, v51;
	v4 =	vmul.f32 v4, v56;
	v7 =	vadd.f32 v7, v8;
	_ =	sdelay $0x1  }
0x1be: {  	v59 =	vmul.f32 v55, v54;
	v6 =	vmul.f32 v6, v58;
	v4 =	vadd.f32 v4, v7;
	_ =	sdelay $0x1  }
0x1bf: {  	v60 =	vmul.f32 v57, v59;
	v4 =	vadd.f32 v6, v4;
	_ =	sdelay $0x1  }
0x1c0: {  	v4 =	vadd.f32 v60, v4;
	_ =	sdelay $0x1  }
0x1c1: {  	(xrf2) =	vadd.scan.msk.f32 $0xffff, v4;
	_ =	sdelay $0x8  }
0x1c2: {  	v4, _, _ =	vpop (xrf2)  }
0x1c3: {  	v61 =	vmov s23;
	s24 =	sshll.u32 s11, $0x4;
	s11 =	sadd.s32 $0x1, s11;
	v4 =	vperm.xlane v4, v1;
	v62, _, _ =	vpop (xrf2)  }
0x1c4: {  	v63 =	vmov s18;
	vm0 =	veq.s32 v61, v2;
	p1 =	sne.s32 s11, $0x8;
	v7 =	vperm.xlane v62, v1  }
.Ltmp9:
0x1c5: {  	vm15 =	veq.s32 v63, v2;
	v4 =	vsel vm0, v4, v5;
	(pc) =	sbr.rel @p1 .LBB2_17-.Ltmp9, $4  }
0x1c6: {  	v4 =	vsel vm15, v7, v4  }
0x1c7: {  	v4 =	vadd.f32 v4, v3  }
0x1c8: {  	s7 =	sand.u32 $0x3FFFFFF0, s24  }
0x1c9: {  	s12 =	sadd.s32 $0x800, s12;
	s13 =	sadd.s32 $0x800, s13;
	s16 =	sadd.s32 $0x800, s16;
	[tilespmem:s7+$0x18800] =	vst v4  }
0x1ca: {  	_ =	swait.ge [sflag:s20], $0x4000  }
0x1cb: {  	[sflag:s20] =	ssyncset.done $0x0  }
0x1cc: {  	[sflag:s20] =	ssyncadd.s32 $0xFFFFC000  }
0x1cd: {  	_ =	swait.ge [sflag:s21], $0x4000  }
0x1ce: {  	[sflag:s21] =	ssyncset.done $0x0  }
0x1cf: {  	[sflag:s21] =	ssyncadd.s32 $0xFFFFC000  }
0x1d0: {  	_ =	swait.ge [sflag:s30], $0x4000  }
0x1d1: {  	s11 =	simm.s32 $0x0;
	s12 =	simm.s32 $0x4640;
	[sflag:s30] =	ssyncset.done $0x0  }
0x1d2: {  	s13 =	simm.s32 $0xC640;
	s16 =	simm.s32 $0x14640;
	[sflag:s30] =	ssyncadd.s32 $0xFFFFC000  }
.LBB2_21:
0x1d3: {  	v5 =	vld [tilespmem:s16+$0x20]  }
0x1d4: {  	v7 =	vld [tilespmem:s16+$0x10]  }
0x1d5: {  	v4 =	vld [tilespmem:s16+$0x0]  }
0x1d6: {  	v6 =	vld [tilespmem:s16+$0xFFFFFFF0]  }
0x1d7: {  	v8 =	vld [tilespmem:s16+$0xFFFFFFE0]  }
0x1d8: {  	v9 =	vld [tilespmem:s16+$0xFFFFFFC0]  }
0x1d9: {  	v10 =	vld [tilespmem:s12+$0xFFFFFFE0]  }
0x1da: {  	v11 =	vld [tilespmem:s12+$0xFFFFFFC0]  }
0x1db: {  	v12 =	vld [tilespmem:s13+$0xFFFFFFC0]  }
0x1dc: {  	v13 =	vld [tilespmem:s12+$0xFFFFFFD0]  }
0x1dd: {  	v14 =	vld [tilespmem:s13+$0xFFFFFFD0]  }
0x1de: {  	v15 =	vld [tilespmem:s13+$0xFFFFFFE0]  }
0x1df: {  	v16 =	vld [tilespmem:s16+$0xFFFFFFD0]  }
0x1e0: {  	v17 =	vld [tilespmem:s12+$0xFFFFFFF0]  }
0x1e1: {  	v18 =	vld [tilespmem:s13+$0xFFFFFFF0]  }
0x1e2: {  	v19 =	vld [tilespmem:s12+$0x0];
	v11 =	vmul.f32 v12, v11;
	v12 =	vmul.f32 v14, v13  }
0x1e3: {  	v13 =	vld [tilespmem:s13+$0x0];
	v10 =	vmul.f32 v15, v10  }
0x1e4: {  	v14 =	vld [tilespmem:s12+$0x10];
	v9 =	vmul.f32 v9, v11;
	v11 =	vmul.f32 v16, v12  }
0x1e5: {  	v12 =	vld [tilespmem:s13+$0x10]  }
0x1e6: {  	v15 =	vld [tilespmem:s12+$0x20];
	v8 =	vmul.f32 v8, v10;
	v10 =	vmul.f32 v18, v17;
	v9 =	vadd.f32 v11, v9  }
0x1e7: {  	v11 =	vld [tilespmem:s13+$0x20]  }
0x1e8: {  	v16 =	vld [tilespmem:s12+$0x30];
	v6 =	vmul.f32 v6, v10;
	v8 =	vadd.f32 v8, v9;
	v9 =	vmul.f32 v13, v19  }
0x1e9: {  	v10 =	vld [tilespmem:s13+$0x30]  }
0x1ea: {  	s24 =	sadd.s32 $0x80, s12;
	v13 =	vld [tilespmem:s16+$0x30];
	v12 =	vmul.f32 v12, v14;
	v8 =	vadd.f32 v6, v8;
	v9 =	vmul.f32 v4, v9  }
0x1eb: {  	s17 =	sadd.s32 $0x80, s16;
	v14 =	vld [tilespmem:s24+$0xFFFFFFD0]  }
0x1ec: {  	v6 =	vld [tilespmem:s17+$0x20];
	v12 =	vmul.f32 v7, v12;
	v11 =	vmul.f32 v11, v15;
	v9 =	vadd.f32 v9, v8  }
0x1ed: {  	v4 =	vld [tilespmem:s17+$0x10]  }
0x1ee: {  	v7 =	vld [tilespmem:s17+$0x0];
	v5 =	vmul.f32 v5, v11;
	v11 =	vmul.f32 v10, v16;
	v12 =	vadd.f32 v12, v9  }
0x1ef: {  	v8 =	vld [tilespmem:s17+$0xFFFFFFF0]  }
0x1f0: {  	v10 =	vld [tilespmem:s17+$0xFFFFFFC0];
	v13 =	vmul.f32 v13, v11;
	v5 =	vadd.f32 v5, v12  }
0x1f1: {  	v9 =	vld [tilespmem:s17+$0xFFFFFFE0]  }
0x1f2: {  	v11 =	vld [tilespmem:s24+$0xFFFFFFE0];
	v15 =	vadd.f32 v13, v5  }
0x1f3: {  	s7 =	sadd.s32 $0x80, s13;
	v12 =	vld [tilespmem:s24+$0xFFFFFFC0]  }
0x1f4: {  	v13 =	vld [tilespmem:s7+$0xFFFFFFC0];
	(xrf2) =	vadd.scan.msk.f32 $0xffff, v15  }
0x1f5: {  	s18 =	simm.s32 $0x1;
	s8 =	simm.s32 $0x2;
	s23 =	simm.s32 $0x0;
	v5 =	vimm.f32 $0.0e+00;
	v15 =	vld [tilespmem:s7+$0xFFFFFFD0]  }
.LBB2_22:
0x1f6: {  	p1 =	sne.s32 s8, $0xF;
	v16 =	vld [tilespmem:s7+$0xFFFFFFE0]  }
0x1f7: {  	v17 =	vld [tilespmem:s17+$0xFFFFFFD0]  }
0x1f8: {  	v18 =	vld [tilespmem:s24+$0xFFFFFFF0]  }
0x1f9: {  	v19 =	vld [tilespmem:s7+$0xFFFFFFF0]  }
0x1fa: {  	v12 =	vmul.f32 v13, v12;
	v13 =	vmul.f32 v15, v14;
	v14 =	vld [tilespmem:s24+$0x0]  }
0x1fb: {  	v11 =	vmul.f32 v16, v11;
	v15 =	vld [tilespmem:s7+$0x0]  }
0x1fc: {  	v10 =	vmul.f32 v10, v12;
	v12 =	vmul.f32 v17, v13;
	v13 =	vld [tilespmem:s24+$0x10]  }
0x1fd: {  	v17 =	vmov s23;
	s23 =	smov.u32 s18;
	s18 =	smov.u32 s8;
	v16 =	vld [tilespmem:s7+$0x10]  }
0x1fe: {  	v9 =	vmul.f32 v9, v11;
	v10 =	vadd.f32 v12, v10;
	v11 =	vmul.f32 v19, v18;
	v12 =	vld [tilespmem:s24+$0x20];
	v18, _, _ =	vpop (xrf2)  }
0x1ff: {  	vm0 =	veq.s32 v17, v2;
	v19 =	vld [tilespmem:s7+$0x20];
	v18 =	vperm.xlane v18, v1  }
0x200: {  	v9 =	vadd.f32 v9, v10;
	v8 =	vmul.f32 v8, v11;
	v10 =	vmul.f32 v15, v14;
	v11 =	vld [tilespmem:s24+$0x30]  }
0x201: {  	v14 =	vld [tilespmem:s7+$0x30];
	v5 =	vsel vm0, v18, v5  }
0x202: {  	v8 =	vadd.f32 v8, v9;
	v7 =	vmul.f32 v7, v10;
	v9 =	vmul.f32 v16, v13;
	v13 =	vld [tilespmem:s17+$0x30];
	s17 =	sadd.s32 $0x80, s17  }
0x203: {  	v15 =	vld [tilespmem:s17+$0x20]  }
0x204: {  	v10 =	vadd.f32 v7, v8;
	v9 =	vmul.f32 v4, v9;
	v4 =	vld [tilespmem:s17+$0x10];
	v12 =	vmul.f32 v19, v12  }
0x205: {  	v7 =	vld [tilespmem:s17+$0x0]  }
0x206: {  	v8 =	vld [tilespmem:s17+$0xFFFFFFF0];
	v16 =	vadd.f32 v9, v10;
	v12 =	vmul.f32 v6, v12;
	v11 =	vmul.f32 v14, v11  }
0x207: {  	v9 =	vld [tilespmem:s17+$0xFFFFFFE0]  }
0x208: {  	s24 =	sadd.s32 $0x80, s24;
	v10 =	vld [tilespmem:s17+$0xFFFFFFC0];
	v14 =	vadd.f32 v12, v16;
	v13 =	vmul.f32 v13, v11;
	v6 =	vmov v15  }
.Ltmp10:
0x209: {  	v11 =	vld [tilespmem:s24+$0xFFFFFFE0];
	(pc) =	sbr.rel @p1 .LBB2_22-.Ltmp10, $4  }
0x20a: {  	s7 =	sadd.s32 $0x80, s7;
	v12 =	vld [tilespmem:s24+$0xFFFFFFC0];
	v15 =	vadd.f32 v13, v14  }
0x20b: {  	v13 =	vld [tilespmem:s7+$0xFFFFFFC0]  }
0x20c: {  	v14 =	vld [tilespmem:s24+$0xFFFFFFD0];
	(xrf2) =	vadd.scan.msk.f32 $0xffff, v15  }
0x20d: {  	s8 =	sadd.s32 $0x1, s8;
	v15 =	vld [tilespmem:s7+$0xFFFFFFD0]  }
0x20e: {  	v16 =	vld [tilespmem:s7+$0xFFFFFFE0]  }
0x20f: {  	v17 =	vld [tilespmem:s17+$0xFFFFFFD0]  }
0x210: {  	v18 =	vld [tilespmem:s24+$0xFFFFFFF0]  }
0x211: {  	v19 =	vld [tilespmem:s7+$0xFFFFFFF0];
	v12 =	vmul.f32 v13, v12  }
0x212: {  	v45 =	vld [tilespmem:s24+$0x0];
	v44 =	vmul.f32 v15, v14  }
0x213: {  	v46 =	vld [tilespmem:s7+$0x0];
	v10 =	vmul.f32 v10, v12  }
0x214: {  	v48 =	vld [tilespmem:s24+$0x10];
	v11 =	vmul.f32 v16, v11;
	v47 =	vmul.f32 v17, v44  }
0x215: {  	v49 =	vld [tilespmem:s7+$0x10]  }
0x216: {  	v51 =	vld [tilespmem:s24+$0x20];
	v50 =	vmul.f32 v19, v18;
	v9 =	vmul.f32 v9, v11;
	v10 =	vadd.f32 v47, v10  }
0x217: {  	v52 =	vld [tilespmem:s7+$0x20]  }
0x218: {  	v54 =	vld [tilespmem:s24+$0x30];
	v53 =	vmul.f32 v46, v45;
	v8 =	vmul.f32 v8, v50;
	v9 =	vadd.f32 v9, v10  }
0x219: {  	v55 =	vld [tilespmem:s7+$0x30]  }
0x21a: {  	v56 =	vmul.f32 v49, v48;
	v7 =	vmul.f32 v7, v53;
	v8 =	vadd.f32 v8, v9  }
0x21b: {  	v57 =	vld [tilespmem:s17+$0x30]  }
0x21c: {  	v58 =	vmul.f32 v52, v51;
	v4 =	vmul.f32 v4, v56;
	v7 =	vadd.f32 v7, v8;
	_ =	sdelay $0x1  }
0x21d: {  	v59 =	vmul.f32 v55, v54;
	v6 =	vmul.f32 v6, v58;
	v4 =	vadd.f32 v4, v7;
	_ =	sdelay $0x1  }
0x21e: {  	v60 =	vmul.f32 v57, v59;
	v4 =	vadd.f32 v6, v4;
	_ =	sdelay $0x1  }
0x21f: {  	v4 =	vadd.f32 v60, v4;
	_ =	sdelay $0x1  }
0x220: {  	(xrf2) =	vadd.scan.msk.f32 $0xffff, v4;
	_ =	sdelay $0x8  }
0x221: {  	v4, _, _ =	vpop (xrf2)  }
0x222: {  	v61 =	vmov s23;
	s24 =	sshll.u32 s11, $0x4;
	s11 =	sadd.s32 $0x1, s11;
	v4 =	vperm.xlane v4, v1;
	v62, _, _ =	vpop (xrf2)  }
0x223: {  	v63 =	vmov s18;
	vm0 =	veq.s32 v61, v2;
	p1 =	sne.s32 s11, $0x8;
	v7 =	vperm.xlane v62, v1  }
.Ltmp11:
0x224: {  	vm15 =	veq.s32 v63, v2;
	v4 =	vsel vm0, v4, v5;
	(pc) =	sbr.rel @p1 .LBB2_21-.Ltmp11, $4  }
0x225: {  	v4 =	vsel vm15, v7, v4  }
0x226: {  	v4 =	vadd.f32 v4, v3  }
0x227: {  	s7 =	sand.u32 $0x3FFFFFF0, s24  }
0x228: {  	s12 =	sadd.s32 $0x800, s12;
	s13 =	sadd.s32 $0x800, s13;
	s16 =	sadd.s32 $0x800, s16;
	[tilespmem:s7+$0x18880] =	vst v4  }
0x229: {  	s10 =	sadd.s32 $0x1, s10  }
0x22a: {  	p1 =	sne.s32 s10, s15  }
.Ltmp12:
0x22b: {  	s7 =	simm.s32 $0x18700;
	(pc) =	sbr.rel @p1 .LBB2_1-.Ltmp12, $4  }
0x22c: {  	[hbm4b:s14+s6] =	stream.linear.scatter [tilespmem:s7], [sflag:$0x9], $0x200, $0x38;
	[tilespmem:$0x1A840] =	vst v63  }
0x22d: {  	_ =	swait.ge [sflag:s29], $0x200  }
0x22e: {  	[sflag:s29] =	ssyncset.done $0x0  }
0x22f: {  	s12 =	simm.s32 $0x400;
	[sflag:s29] =	ssyncadd.s32 $0xFFFFFE00  }
0x230: {  	_ =	sfence.sel $0x180000  }
0x231: {  	[bflag:$0x0] =	sbarrier.arrive $0xFFFF  }
0x232: {  	_ =	strace $0x90000047  }
0x233: {  	s0 =	stileid.u32;
	[bflag:$0x2] =	sbarrier.arrive $0xFFFF  }
0x234: {  	p0 =	sne.s32 s0, $0x0;
	s0 =	rddreg [dreg:$0x9]  }
0x235: {  	s0 =	sadd.s32 @!p0 $0x100000, s0  }
0x236: {  	[sflag:s0] =	ssyncadd.tile.s32 @!p0 $0x1;
	_ =	shalt  }
.Lfunc_end2:
_tile_overlayer_lowered:
.L_overlay_start_2:
0x237: {  	(tag) =	ssettag $0x2  }
0x238: {  	s0 =	rddreg [dreg:$0x0];
	s2 =	stileid.u32  }
0x239: {  	s1 =	rddreg [dreg:$0x1];
	p0 =	sne.s32 s2, $0x0  }
0x23a: {  	s3 =	rddreg [dreg:$0x2];
	[bflag:$0x3] =	sbarrier.arrive $0xFFFF;
	s2 =	simm.s32 @!p0 $0x1C09  }
0x23b: {  	[timem:s3], [sflag:s2] =	dma.local @!p0 [hbm:s0], s1  }
0x23c: {  	s0 =	simm.s32 @!p0 $0x9  }
0x23d: {  	_ =	swait.ge @!p0 [sflag:s0], s1  }
0x23e: {  	s1 =	ssub.s32 @!p0 $0x0, s1;
	[sflag:s0] =	ssyncset.done @!p0 $0x0  }
0x23f: {  	[sflag:s0] =	ssyncadd.s32 @!p0 s1  }
0x240: {  	[bflag:$0x3] =	sbarrier.arrive $0xFFFF  }
0x241: {  	_ =	shalt  }

</sc_bundles>
